<compile_context>
chip_gen: v7x
topology: tpu7x:2x2x1
jax: 0.10.2.dev20260603
libtpu: 0.0.44.dev20260713+nightly
codegen_flags: <defaults>
</compile_context>

<pallas_src>
import functools

import jax
import jax.numpy as jnp
from jax import lax
from jax.experimental import pallas as pl
from jax.experimental.pallas import tpu as pltpu
from jax.experimental.pallas import tpu_sc as plsc

_HIGH = lax.Precision.HIGHEST


def _score_body(tb_ref, w_ref, b_ref, out_ref):
    s = jnp.dot(tb_ref[...], w_ref[...],
                preferred_element_type=jnp.float32) + b_ref[...]
    blk, c = s.shape
    cp = out_ref.shape[1]
    out_ref[...] = jnp.concatenate(
        [s, jnp.zeros((blk, cp - c), jnp.float32)], axis=1)


def _final_body(s_ref, hv_ref, tv_ref, rc_ref, lab_ref, lwt_ref,
                lb_ref, logits_ref, loss_ref, *, IB, L, D, R, H, C):
    i = pl.program_id(0)
    ng = pl.num_programs(0)
    rc_m = rc_ref[...].reshape(IB, 1)
    iota_c = lax.broadcasted_iota(jnp.int32, (1, C), 1)
    iota_r = lax.broadcasted_iota(jnp.int32, (1, R), 1)
    wsel = jnp.where(iota_c // H == rc_m, 1.0 / H, 0.0)
    onehot = jnp.where(iota_r == rc_m, 1.0, 0.0)

    def side(s, v):
        x = jnp.maximum(s, 0.0)
        m = jnp.max(x, axis=0, keepdims=True)
        e = jnp.exp(x - m)
        q = e / jnp.sum(e, axis=0, keepdims=True)
        qbar = jnp.sum(q * wsel[None, :, :], axis=2)
        return jnp.sum(qbar[:, :, None] * v, axis=0)

    oh = side(s_ref[0, :, :, 0:C], hv_ref[...])
    ot = side(s_ref[1, :, :, 0:C], tv_ref[...])
    lwt = lwt_ref[...]
    la = (jnp.dot(oh, lwt[:D], preferred_element_type=jnp.float32,
                  precision=_HIGH)
          + jnp.dot(ot, lwt[D:], preferred_element_type=jnp.float32,
                    precision=_HIGH))
    l0 = jnp.sum(la[:, 0:R] * onehot, axis=1, keepdims=True)
    l1 = jnp.sum(la[:, R:2 * R] * onehot, axis=1, keepdims=True)
    logits = jnp.concatenate([l0, l1], axis=1) + jnp.dot(
        onehot, lb_ref[...], preferred_element_type=jnp.float32,
        precision=_HIGH)
    logits_ref[...] = logits

    m2 = jnp.max(logits, axis=1, keepdims=True)
    lse = m2 + jnp.log(jnp.sum(jnp.exp(logits - m2), axis=1, keepdims=True))
    lab_m = lab_ref[...].reshape(IB, 1)
    laboh = jnp.where(lax.broadcasted_iota(jnp.int32, (1, 2), 1) == lab_m,
                      1.0, 0.0)
    sel = jnp.sum(logits * laboh, axis=1, keepdims=True)
    part = jnp.sum(lse - sel)

    @pl.when(i == 0)
    def _():
        loss_ref[...] = jnp.zeros_like(loss_ref)

    loss_ref[...] += part

    @pl.when(i == ng - 1)
    def _():
        loss_ref[...] *= 1.0 / (IB * ng)


def _make_sc_gather(V, C, CP, NW, NCH, CH):
    mesh = plsc.VectorSubcoreMesh(core_axis_name="c", subcore_axis_name="s")

    @functools.partial(
        pl.kernel,
        mesh=mesh,
        out_type=jax.ShapeDtypeStruct((NW, NCH, CH, CP), jnp.float32),
        scratch_types=[
            pltpu.VMEM((NCH, CH), jnp.int32),
            pltpu.VMEM((2, CH, CP), jnp.float32),
            pltpu.SemaphoreType.DMA,
            pltpu.SemaphoreType.DMA,
        ],
    )
    def gather(scores_hbm, ids_hbm, out_hbm, idx_v, rows_v, gsem, ssem):
        wid = lax.axis_index("s") * 2 + lax.axis_index("c")
        pltpu.sync_copy(ids_hbm.at[wid], idx_v)

        def body(i, carry):
            k0 = 2 * i

            @pl.when(i > 0)
            def _():
                for b in range(2):
                    pltpu.make_async_copy(
                        rows_v.at[b], out_hbm.at[wid, k0 + b], ssem).wait()

            for b in range(2):
                pltpu.make_async_copy(
                    scores_hbm.at[idx_v.at[k0 + b]], rows_v.at[b],
                    gsem).start()
            for b in range(2):
                pltpu.make_async_copy(
                    scores_hbm.at[idx_v.at[k0 + b]], rows_v.at[b],
                    gsem).wait()
                pltpu.make_async_copy(
                    rows_v.at[b], out_hbm.at[wid, k0 + b], ssem).start()
            return carry

        lax.fori_loop(0, NCH // 2, body, 0)
        for b in range(2):
            pltpu.make_async_copy(
                rows_v.at[b], out_hbm.at[wid, NCH - 2 + b], ssem).wait()

    return gather


def kernel(head_ids, tail_ids, head_vals, tail_vals, nd_labels, rc_ids,
           table, gat_w, gat_b, lin_w, lin_b):
    B, L = head_ids.shape
    V, D = table.shape
    H, R = gat_w.shape[0], gat_w.shape[1]
    C = H * R

    CP = 128

    w_all = gat_w[:, :, 0, :].transpose(2, 1, 0).reshape(D, C)
    b_all = gat_b[:, :, 0].T.reshape(1, C)
    lwt = lin_w.transpose(2, 1, 0).reshape(2 * D, 2 * R)

    BLK_V = 2000
    assert V % BLK_V == 0
    scores = pl.pallas_call(
        _score_body,
        grid=(V // BLK_V,),
        in_specs=[
            pl.BlockSpec((BLK_V, D), lambda i: (i, 0)),
            pl.BlockSpec((D, C), lambda i: (0, 0)),
            pl.BlockSpec((1, C), lambda i: (0, 0)),
        ],
        out_specs=pl.BlockSpec((BLK_V, CP), lambda i: (i, 0)),
        out_shape=jax.ShapeDtypeStruct((V, CP), jnp.float32),
    )(table, w_all, b_all)

    info = plsc.get_sparse_core_info()
    NW = info.num_cores * info.num_subcores
    total = 2 * B * L
    CH = 80
    NCH = total // (NW * CH)
    assert NW * NCH * CH == total
    ids_lm = jnp.concatenate(
        [head_ids.T.reshape(-1), tail_ids.T.reshape(-1)]).astype(jnp.int32)
    ids3 = ids_lm.reshape(NW, NCH, CH)
    gathered = _make_sc_gather(V, C, CP, NW, NCH, CH)(scores, ids3)
    s_all = gathered.reshape(2, L, B, CP)

    IB = 32
    G = B // IB
    rc2 = rc_ids.astype(jnp.int32).reshape(G, 1, IB)
    lab2 = nd_labels.astype(jnp.int32).reshape(G, 1, IB)
    logits, loss_sum = pl.pallas_call(
        functools.partial(_final_body, IB=IB, L=L, D=D, R=R, H=H, C=C),
        grid=(G,),
        in_specs=[
            pl.BlockSpec((2, L, IB, CP), lambda i: (0, 0, i, 0)),
            pl.BlockSpec((L, IB, D), lambda i: (0, i, 0)),
            pl.BlockSpec((L, IB, D), lambda i: (0, i, 0)),
            pl.BlockSpec((1, 1, IB), lambda i: (i, 0, 0)),
            pl.BlockSpec((1, 1, IB), lambda i: (i, 0, 0)),
            pl.BlockSpec((2 * D, 2 * R), lambda i: (0, 0)),
            pl.BlockSpec((R, 2), lambda i: (0, 0)),
        ],
        out_specs=[
            pl.BlockSpec((IB, 2), lambda i: (i, 0)),
            pl.BlockSpec((1, 1), lambda i: (0, 0)),
        ],
        out_shape=[
            jax.ShapeDtypeStruct((B, 2), jnp.float32),
            jax.ShapeDtypeStruct((1, 1), jnp.float32),
        ],
    )(s_all, head_vals.transpose(1, 0, 2), tail_vals.transpose(1, 0, 2),
      rc2, lab2, lwt, lin_b)

    return (logits, loss_sum.reshape(()))

# --- scband reference (transcript-rebuilt; emitter-appended) ---
"""Pipeline reference for scband-rgat-stack-68281390072290 (READ-ONLY COPY).

The authoritative reference and input builder live on the scoring server;
editing this copy changes nothing except your own understanding.
"""

import jax, jax.numpy as jnp
import numpy as np

NUM_RC = 4
N_HEADS = 8
D = 768
VOCAB = 100000
B = 512
L = 50


def setup_inputs(seed: int = 0) -> dict:
    key = jax.random.key(seed)
    ks = jax.random.split(key, 10)
    head_ids = jax.random.randint(ks[0], (B, L), 0, VOCAB)
    tail_ids = jax.random.randint(ks[1], (B, L), 0, VOCAB)
    head_vals = jax.random.normal(ks[2], (B, L, D), dtype=jnp.float32)
    tail_vals = jax.random.normal(ks[3], (B, L, D), dtype=jnp.float32)
    nd_labels = jax.random.randint(ks[4], (B,), 0, 2)
    rc_ids = jax.random.randint(ks[5], (B,), 0, NUM_RC)
    table = jax.random.normal(ks[6], (VOCAB, D), dtype=jnp.float32) * 0.02
    stdv = float(np.sqrt(6.0 / (D + 1)))
    gat_w = jax.random.uniform(ks[7], (N_HEADS, NUM_RC, 1, D), minval=-stdv, maxval=stdv, dtype=jnp.float32)
    gat_b = jnp.zeros((N_HEADS, NUM_RC, 1), dtype=jnp.float32)
    stdv2 = float(np.sqrt(6.0 / (2 * D + 2)))
    lin_w = jax.random.uniform(ks[8], (NUM_RC, 2, 2 * D), minval=-stdv2, maxval=stdv2, dtype=jnp.float32)
    lin_b = jnp.zeros((NUM_RC, 2), dtype=jnp.float32)
    return {"head_ids": head_ids, "tail_ids": tail_ids, "head_vals": head_vals,
            "tail_vals": tail_vals, "nd_labels": nd_labels, "rc_ids": rc_ids,
            "table": table, "gat_w": gat_w, "gat_b": gat_b, "lin_w": lin_w, "lin_b": lin_b}


def _rel_attention(value_feat, prop_feat, w, b):
    # value_feat [L, D], prop_feat [L, D], w [1, D], b [1]
    Q = prop_feat @ w.T + b              # [L, 1]
    Q = jax.nn.relu(Q)[:, 0]             # [L]
    Q = jax.nn.softmax(Q, axis=0)        # softmax over properties (dim=0)
    out = value_feat.T @ Q[:, None]      # [D, 1]
    return out[:, 0]                     # [D]


def _entity_out(ids, vals, rc, table, gat_w, gat_b):
    prop_feat = jnp.take(table, ids, axis=0)   # embedding lookup [L, D]
    w = jnp.take(gat_w, rc, axis=1)            # [H, 1, D] for this relation
    b = jnp.take(gat_b, rc, axis=1)            # [H, 1]
    outs = jax.vmap(lambda wi, bi: _rel_attention(vals, prop_feat, wi, bi))(w, b)  # [H, D]
    return outs.mean(axis=0)                   # multi-head mean [D]


def reference(head_ids, tail_ids, head_vals, tail_vals, nd_labels, rc_ids,
              table, gat_w, gat_b, lin_w, lin_b):
    def per_item(hid, tid, hval, tval, rc):
        h = _entity_out(hid, hval, rc, table, gat_w, gat_b)
        t = _entity_out(tid, tval, rc, table, gat_w, gat_b)
        cat = jnp.concatenate([h, t], axis=0)          # [2D]
        logits = jnp.take(lin_w, rc, axis=0) @ cat + jnp.take(lin_b, rc, axis=0)  # [2]
        return logits

    all_logits = jax.vmap(per_item)(head_ids, tail_ids, head_vals, tail_vals, rc_ids)  # [B, 2]
    logp = jax.nn.log_softmax(all_logits, axis=-1)
    loss = -jnp.mean(jnp.take_along_axis(logp, nd_labels[:, None], axis=1))
    return (all_logits, loss)

if __name__ == "__main__":
    import jax
    _d = setup_inputs()
    print(jax.jit(kernel)(*tuple(_d.values())))

</pallas_src>

<mosaic_0001>
#map = affine_map<(d0, d1) -> (0, 0)>
#map1 = affine_map<(d0, d1) -> (0, 0, 0)>
#map2 = affine_map<(d0, d1) -> (0, 0, 0, 0)>
module attributes {stable_mosaic.version = 14 : i64} {
  func.func @gather(%arg0: i32, %arg1: i32, %arg2: memref<100000x128xf32, #tpu.memory_space<hbm>>, %arg3: memref<32x20x80xi32, #tpu.memory_space<hbm>>, %arg4: memref<32x20x80x128xf32, #tpu.memory_space<hbm>>, %arg5: memref<20x80xi32, #tpu.memory_space<vmem>>, %arg6: memref<2x80x128xf32, #tpu.memory_space<vmem>>, %arg7: memref<!tpu.dma_semaphore, #tpu.memory_space<semaphore_mem>>, %arg8: memref<!tpu.dma_semaphore, #tpu.memory_space<semaphore_mem>>) attributes {dimension_semantics = [#tpu.dimension_semantics<core_parallel>, #tpu.dimension_semantics<subcore_parallel>], iteration_bounds = array<i64: 2, 16>, scalar_prefetch = 0 : i64, scratch_operands = 4 : i64, tpu.core_type = #tpu.core_type<sc_vector_subcore>, window_params = [{transform_indices = #map}, {transform_indices = #map1}, {transform_indices = #map2}]} {
    %mul3A = arith.constant 2 : i32
    %mul3A_0 = arith.muli %arg1, %mul3A : i32
    %add3A = arith.addi %mul3A_0, %arg0 : i32
    "tpu.region"() ({
      %run_scoped3A = tpu.sem_alloc : memref<!tpu.dma_semaphore, #tpu.memory_space<semaphore_mem>>
      %dma_start3A = arith.constant 0 : i32
      %dma_start3A_41 = arith.constant 0 : i32
      %dma_start3A_42 = tpu.memref_slice %arg3[%add3A, %dma_start3A, %dma_start3A_41] : memref<32x20x80xi32, #tpu.memory_space<hbm>> -> memref<1x20x80xi32, #tpu.memory_space<hbm>>
      %dma_start3A_43 = tpu.memref_squeeze %dma_start3A_42 : memref<1x20x80xi32, #tpu.memory_space<hbm>> -> memref<20x80xi32, #tpu.memory_space<hbm>>
      %dma_start3A_44 = arith.constant 0 : i32
      %dma_start3A_45 = arith.constant 0 : i32
      %dma_start3A_46 = tpu.memref_slice %arg3[%add3A, %dma_start3A_44, %dma_start3A_45] : memref<32x20x80xi32, #tpu.memory_space<hbm>> -> memref<1x20x80xi32, #tpu.memory_space<hbm>>
      %dma_start3A_47 = tpu.memref_squeeze %dma_start3A_46 : memref<1x20x80xi32, #tpu.memory_space<hbm>> -> memref<20x80xi32, #tpu.memory_space<hbm>>
      tpu.enqueue_dma source(%dma_start3A_47 : memref<20x80xi32, #tpu.memory_space<hbm>>) target(%arg5 : memref<20x80xi32, #tpu.memory_space<vmem>>) target_semaphore(%run_scoped3A : memref<!tpu.dma_semaphore, #tpu.memory_space<semaphore_mem>>)
      %dma_wait3A_48 = arith.constant 0 : i32
      %dma_wait3A_49 = arith.constant 0 : i32
      %dma_wait3A_50 = tpu.memref_slice %arg3[%add3A, %dma_wait3A_48, %dma_wait3A_49] : memref<32x20x80xi32, #tpu.memory_space<hbm>> -> memref<1x20x80xi32, #tpu.memory_space<hbm>>
      %dma_wait3A_51 = tpu.memref_squeeze %dma_wait3A_50 : memref<1x20x80xi32, #tpu.memory_space<hbm>> -> memref<20x80xi32, #tpu.memory_space<hbm>>
      %dma_wait3A_52 = arith.constant 0 : i32
      %dma_wait3A_53 = arith.constant 0 : i32
      %dma_wait3A_54 = tpu.memref_slice %arg3[%add3A, %dma_wait3A_52, %dma_wait3A_53] : memref<32x20x80xi32, #tpu.memory_space<hbm>> -> memref<1x20x80xi32, #tpu.memory_space<hbm>>
      %dma_wait3A_55 = tpu.memref_squeeze %dma_wait3A_54 : memref<1x20x80xi32, #tpu.memory_space<hbm>> -> memref<20x80xi32, #tpu.memory_space<hbm>>
      tpu.wait_dma2 semaphore(%run_scoped3A : memref<!tpu.dma_semaphore, #tpu.memory_space<semaphore_mem>>) src(%dma_wait3A_55 : memref<20x80xi32, #tpu.memory_space<hbm>>) dst(%arg5 : memref<20x80xi32, #tpu.memory_space<vmem>>)
      tpu.yield
    }) : () -> ()
    %scan3A = arith.constant 0 : i32
    %scan3A_1 = arith.constant 0 : i32
    %scan3A_2 = arith.constant 10 : i32
    %scan3A_3 = arith.addi %scan3A_1, %scan3A_2 : i32
    %scan3A_4 = arith.constant 1 : i32
    scf.for %scan3A_41 = %scan3A_1 to %scan3A_3 step %scan3A_4  : i32 {
      %mul3A_42 = arith.constant 2 : i32
      %mul3A_43 = arith.muli %mul3A_42, %scan3A_41 : i32
      %gt3A = arith.constant 0 : i32
      %gt3A_44 = arith.cmpi sgt, %scan3A_41, %gt3A : i32
      %convert_element_type3A = arith.extui %gt3A_44 : i1 to i32
      %cond3A = arith.constant 0 : i32
      %cond3A_45 = arith.cmpi ne, %convert_element_type3A, %cond3A : i32
      scf.if %cond3A_45 {
        %add3A_135 = arith.constant 0 : i32
        %add3A_136 = arith.addi %mul3A_43, %add3A_135 : i32
        %dma_wait3A_137 = arith.constant 0 : i32
        %dma_wait3A_138 = arith.constant 0 : i32
        %dma_wait3A_139 = arith.constant 0 : i32
        %dma_wait3A_140 = tpu.memref_slice %arg6[%dma_wait3A_137, %dma_wait3A_138, %dma_wait3A_139] : memref<2x80x128xf32, #tpu.memory_space<vmem>> -> memref<1x80x128xf32, #tpu.memory_space<vmem>>
        %dma_wait3A_141 = tpu.memref_squeeze %dma_wait3A_140 : memref<1x80x128xf32, #tpu.memory_space<vmem>> -> memref<80x128xf32, #tpu.memory_space<vmem>>
        %dma_wait3A_142 = arith.constant 0 : i32
        %dma_wait3A_143 = arith.constant 0 : i32
        %dma_wait3A_144 = tpu.memref_slice %arg4[%add3A, %add3A_136, %dma_wait3A_142, %dma_wait3A_143] : memref<32x20x80x128xf32, #tpu.memory_space<hbm>> -> memref<1x1x80x128xf32, #tpu.memory_space<hbm>>
        %dma_wait3A_145 = tpu.memref_squeeze %dma_wait3A_144 : memref<1x1x80x128xf32, #tpu.memory_space<hbm>> -> memref<80x128xf32, #tpu.memory_space<hbm>>
        %dma_wait3A_146 = arith.constant 0 : i32
        %dma_wait3A_147 = arith.constant 0 : i32
        %dma_wait3A_148 = tpu.memref_slice %arg4[%add3A, %add3A_136, %dma_wait3A_146, %dma_wait3A_147] : memref<32x20x80x128xf32, #tpu.memory_space<hbm>> -> memref<1x1x80x128xf32, #tpu.memory_space<hbm>>
        %dma_wait3A_149 = tpu.memref_squeeze %dma_wait3A_148 : memref<1x1x80x128xf32, #tpu.memory_space<hbm>> -> memref<80x128xf32, #tpu.memory_space<hbm>>
        %dma_wait3A_150 = arith.constant 0 : i32
        %dma_wait3A_151 = arith.constant 0 : i32
        %dma_wait3A_152 = tpu.memref_slice %arg6[%dma_wait3A_137, %dma_wait3A_150, %dma_wait3A_151] : memref<2x80x128xf32, #tpu.memory_space<vmem>> -> memref<1x80x128xf32, #tpu.memory_space<vmem>>
        %dma_wait3A_153 = tpu.memref_squeeze %dma_wait3A_152 : memref<1x80x128xf32, #tpu.memory_space<vmem>> -> memref<80x128xf32, #tpu.memory_space<vmem>>
        tpu.wait_dma2 semaphore(%arg8 : memref<!tpu.dma_semaphore, #tpu.memory_space<semaphore_mem>>) src(%dma_wait3A_153 : memref<80x128xf32, #tpu.memory_space<vmem>>) dst(%dma_wait3A_149 : memref<80x128xf32, #tpu.memory_space<hbm>>)
        %add3A_154 = arith.constant 1 : i32
        %add3A_155 = arith.addi %mul3A_43, %add3A_154 : i32
        %dma_wait3A_156 = arith.constant 1 : i32
        %dma_wait3A_157 = arith.constant 0 : i32
        %dma_wait3A_158 = arith.constant 0 : i32
        %dma_wait3A_159 = tpu.memref_slice %arg6[%dma_wait3A_156, %dma_wait3A_157, %dma_wait3A_158] : memref<2x80x128xf32, #tpu.memory_space<vmem>> -> memref<1x80x128xf32, #tpu.memory_space<vmem>>
        %dma_wait3A_160 = tpu.memref_squeeze %dma_wait3A_159 : memref<1x80x128xf32, #tpu.memory_space<vmem>> -> memref<80x128xf32, #tpu.memory_space<vmem>>
        %dma_wait3A_161 = arith.constant 0 : i32
        %dma_wait3A_162 = arith.constant 0 : i32
        %dma_wait3A_163 = tpu.memref_slice %arg4[%add3A, %add3A_155, %dma_wait3A_161, %dma_wait3A_162] : memref<32x20x80x128xf32, #tpu.memory_space<hbm>> -> memref<1x1x80x128xf32, #tpu.memory_space<hbm>>
        %dma_wait3A_164 = tpu.memref_squeeze %dma_wait3A_163 : memref<1x1x80x128xf32, #tpu.memory_space<hbm>> -> memref<80x128xf32, #tpu.memory_space<hbm>>
        %dma_wait3A_165 = arith.constant 0 : i32
        %dma_wait3A_166 = arith.constant 0 : i32
        %dma_wait3A_167 = tpu.memref_slice %arg4[%add3A, %add3A_155, %dma_wait3A_165, %dma_wait3A_166] : memref<32x20x80x128xf32, #tpu.memory_space<hbm>> -> memref<1x1x80x128xf32, #tpu.memory_space<hbm>>
        %dma_wait3A_168 = tpu.memref_squeeze %dma_wait3A_167 : memref<1x1x80x128xf32, #tpu.memory_space<hbm>> -> memref<80x128xf32, #tpu.memory_space<hbm>>
        %dma_wait3A_169 = arith.constant 0 : i32
        %dma_wait3A_170 = arith.constant 0 : i32
        %dma_wait3A_171 = tpu.memref_slice %arg6[%dma_wait3A_156, %dma_wait3A_169, %dma_wait3A_170] : memref<2x80x128xf32, #tpu.memory_space<vmem>> -> memref<1x80x128xf32, #tpu.memory_space<vmem>>
        %dma_wait3A_172 = tpu.memref_squeeze %dma_wait3A_171 : memref<1x80x128xf32, #tpu.memory_space<vmem>> -> memref<80x128xf32, #tpu.memory_space<vmem>>
        tpu.wait_dma2 semaphore(%arg8 : memref<!tpu.dma_semaphore, #tpu.memory_space<semaphore_mem>>) src(%dma_wait3A_172 : memref<80x128xf32, #tpu.memory_space<vmem>>) dst(%dma_wait3A_168 : memref<80x128xf32, #tpu.memory_space<hbm>>)
      } else {
      }
      %add3A_46 = arith.constant 0 : i32
      %add3A_47 = arith.addi %mul3A_43, %add3A_46 : i32
      %dma_start3A = arith.constant 0 : i32
      %dma_start3A_48 = arith.constant 0 : i32
      %dma_start3A_49 = arith.constant 0 : i32
      %dma_start3A_50 = tpu.memref_slice %arg6[%dma_start3A, %dma_start3A_48, %dma_start3A_49] : memref<2x80x128xf32, #tpu.memory_space<vmem>> -> memref<1x80x128xf32, #tpu.memory_space<vmem>>
      %dma_start3A_51 = tpu.memref_squeeze %dma_start3A_50 : memref<1x80x128xf32, #tpu.memory_space<vmem>> -> memref<80x128xf32, #tpu.memory_space<vmem>>
      %dma_start3A_52 = arith.constant 0 : i32
      %dma_start3A_53 = tpu.memref_slice %arg5[%add3A_47, %dma_start3A_52] : memref<20x80xi32, #tpu.memory_space<vmem>> -> memref<1x80xi32, #tpu.memory_space<vmem>>
      %dma_start3A_54 = tpu.memref_squeeze %dma_start3A_53 : memref<1x80xi32, #tpu.memory_space<vmem>> -> memref<80xi32, #tpu.memory_space<vmem>>
      %dma_start3A_55 = arith.constant 0 : i32
      %dma_start3A_56 = arith.constant 0 : i32
      %dma_start3A_57 = tpu.memref_slice %arg2[%dma_start3A_55, %dma_start3A_56] : memref<100000x128xf32, #tpu.memory_space<hbm>> -> memref<100000x128xf32, #tpu.memory_space<hbm>>
      tpu.enqueue_indirect_dma source(%dma_start3A_57 : memref<100000x128xf32, #tpu.memory_space<hbm>>) target(%dma_start3A_51 : memref<80x128xf32, #tpu.memory_space<vmem>>) offsets(%dma_start3A_54 : memref<80xi32, #tpu.memory_space<vmem>>) semaphore(%arg7 : memref<!tpu.dma_semaphore, #tpu.memory_space<semaphore_mem>>)
      %add3A_58 = arith.constant 1 : i32
      %add3A_59 = arith.addi %mul3A_43, %add3A_58 : i32
      %dma_start3A_60 = arith.constant 1 : i32
      %dma_start3A_61 = arith.constant 0 : i32
      %dma_start3A_62 = arith.constant 0 : i32
      %dma_start3A_63 = tpu.memref_slice %arg6[%dma_start3A_60, %dma_start3A_61, %dma_start3A_62] : memref<2x80x128xf32, #tpu.memory_space<vmem>> -> memref<1x80x128xf32, #tpu.memory_space<vmem>>
      %dma_start3A_64 = tpu.memref_squeeze %dma_start3A_63 : memref<1x80x128xf32, #tpu.memory_space<vmem>> -> memref<80x128xf32, #tpu.memory_space<vmem>>
      %dma_start3A_65 = arith.constant 0 : i32
      %dma_start3A_66 = tpu.memref_slice %arg5[%add3A_59, %dma_start3A_65] : memref<20x80xi32, #tpu.memory_space<vmem>> -> memref<1x80xi32, #tpu.memory_space<vmem>>
      %dma_start3A_67 = tpu.memref_squeeze %dma_start3A_66 : memref<1x80xi32, #tpu.memory_space<vmem>> -> memref<80xi32, #tpu.memory_space<vmem>>
      %dma_start3A_68 = arith.constant 0 : i32
      %dma_start3A_69 = arith.constant 0 : i32
      %dma_start3A_70 = tpu.memref_slice %arg2[%dma_start3A_68, %dma_start3A_69] : memref<100000x128xf32, #tpu.memory_space<hbm>> -> memref<100000x128xf32, #tpu.memory_space<hbm>>
      tpu.enqueue_indirect_dma source(%dma_start3A_70 : memref<100000x128xf32, #tpu.memory_space<hbm>>) target(%dma_start3A_64 : memref<80x128xf32, #tpu.memory_space<vmem>>) offsets(%dma_start3A_67 : memref<80xi32, #tpu.memory_space<vmem>>) semaphore(%arg7 : memref<!tpu.dma_semaphore, #tpu.memory_space<semaphore_mem>>)
      %add3A_71 = arith.constant 0 : i32
      %add3A_72 = arith.addi %mul3A_43, %add3A_71 : i32
      %dma_wait3A_73 = arith.constant 0 : i32
      %dma_wait3A_74 = arith.constant 0 : i32
      %dma_wait3A_75 = arith.constant 0 : i32
      %dma_wait3A_76 = tpu.memref_slice %arg6[%dma_wait3A_73, %dma_wait3A_74, %dma_wait3A_75] : memref<2x80x128xf32, #tpu.memory_space<vmem>> -> memref<1x80x128xf32, #tpu.memory_space<vmem>>
      %dma_wait3A_77 = tpu.memref_squeeze %dma_wait3A_76 : memref<1x80x128xf32, #tpu.memory_space<vmem>> -> memref<80x128xf32, #tpu.memory_space<vmem>>
      %dma_wait3A_78 = arith.constant 0 : i32
      %dma_wait3A_79 = tpu.memref_slice %arg5[%add3A_72, %dma_wait3A_78] : memref<20x80xi32, #tpu.memory_space<vmem>> -> memref<1x80xi32, #tpu.memory_space<vmem>>
      %dma_wait3A_80 = tpu.memref_squeeze %dma_wait3A_79 : memref<1x80xi32, #tpu.memory_space<vmem>> -> memref<80xi32, #tpu.memory_space<vmem>>
      %dma_wait3A_81 = arith.constant 0 : i32
      %dma_wait3A_82 = arith.constant 0 : i32
      %dma_wait3A_83 = tpu.memref_slice %arg2[%dma_wait3A_81, %dma_wait3A_82] : memref<100000x128xf32, #tpu.memory_space<hbm>> -> memref<100000x128xf32, #tpu.memory_space<hbm>>
      tpu.wait_indirect_dma semaphore(%arg7 : memref<!tpu.dma_semaphore, #tpu.memory_space<semaphore_mem>>) src(%dma_wait3A_83 : memref<100000x128xf32, #tpu.memory_space<hbm>>) dst(%dma_wait3A_77 : memref<80x128xf32, #tpu.memory_space<vmem>>)
      %add3A_84 = arith.constant 0 : i32
      %add3A_85 = arith.addi %mul3A_43, %add3A_84 : i32
      %dma_start3A_86 = arith.constant 0 : i32
      %dma_start3A_87 = arith.constant 0 : i32
      %dma_start3A_88 = arith.constant 0 : i32
      %dma_start3A_89 = tpu.memref_slice %arg6[%dma_start3A_86, %dma_start3A_87, %dma_start3A_88] : memref<2x80x128xf32, #tpu.memory_space<vmem>> -> memref<1x80x128xf32, #tpu.memory_space<vmem>>
      %dma_start3A_90 = tpu.memref_squeeze %dma_start3A_89 : memref<1x80x128xf32, #tpu.memory_space<vmem>> -> memref<80x128xf32, #tpu.memory_space<vmem>>
      %dma_start3A_91 = arith.constant 0 : i32
      %dma_start3A_92 = arith.constant 0 : i32
      %dma_start3A_93 = tpu.memref_slice %arg4[%add3A, %add3A_85, %dma_start3A_91, %dma_start3A_92] : memref<32x20x80x128xf32, #tpu.memory_space<hbm>> -> memref<1x1x80x128xf32, #tpu.memory_space<hbm>>
      %dma_start3A_94 = tpu.memref_squeeze %dma_start3A_93 : memref<1x1x80x128xf32, #tpu.memory_space<hbm>> -> memref<80x128xf32, #tpu.memory_space<hbm>>
      %dma_start3A_95 = arith.constant 0 : i32
      %dma_start3A_96 = arith.constant 0 : i32
      %dma_start3A_97 = tpu.memref_slice %arg4[%add3A, %add3A_85, %dma_start3A_95, %dma_start3A_96] : memref<32x20x80x128xf32, #tpu.memory_space<hbm>> -> memref<1x1x80x128xf32, #tpu.memory_space<hbm>>
      %dma_start3A_98 = tpu.memref_squeeze %dma_start3A_97 : memref<1x1x80x128xf32, #tpu.memory_space<hbm>> -> memref<80x128xf32, #tpu.memory_space<hbm>>
      %dma_start3A_99 = arith.constant 0 : i32
      %dma_start3A_100 = arith.constant 0 : i32
      %dma_start3A_101 = tpu.memref_slice %arg6[%dma_start3A_86, %dma_start3A_99, %dma_start3A_100] : memref<2x80x128xf32, #tpu.memory_space<vmem>> -> memref<1x80x128xf32, #tpu.memory_space<vmem>>
      %dma_start3A_102 = tpu.memref_squeeze %dma_start3A_101 : memref<1x80x128xf32, #tpu.memory_space<vmem>> -> memref<80x128xf32, #tpu.memory_space<vmem>>
      tpu.enqueue_dma source(%dma_start3A_102 : memref<80x128xf32, #tpu.memory_space<vmem>>) target(%dma_start3A_98 : memref<80x128xf32, #tpu.memory_space<hbm>>) target_semaphore(%arg8 : memref<!tpu.dma_semaphore, #tpu.memory_space<semaphore_mem>>)
      %add3A_103 = arith.constant 1 : i32
      %add3A_104 = arith.addi %mul3A_43, %add3A_103 : i32
      %dma_wait3A_105 = arith.constant 1 : i32
      %dma_wait3A_106 = arith.constant 0 : i32
      %dma_wait3A_107 = arith.constant 0 : i32
      %dma_wait3A_108 = tpu.memref_slice %arg6[%dma_wait3A_105, %dma_wait3A_106, %dma_wait3A_107] : memref<2x80x128xf32, #tpu.memory_space<vmem>> -> memref<1x80x128xf32, #tpu.memory_space<vmem>>
      %dma_wait3A_109 = tpu.memref_squeeze %dma_wait3A_108 : memref<1x80x128xf32, #tpu.memory_space<vmem>> -> memref<80x128xf32, #tpu.memory_space<vmem>>
      %dma_wait3A_110 = arith.constant 0 : i32
      %dma_wait3A_111 = tpu.memref_slice %arg5[%add3A_104, %dma_wait3A_110] : memref<20x80xi32, #tpu.memory_space<vmem>> -> memref<1x80xi32, #tpu.memory_space<vmem>>
      %dma_wait3A_112 = tpu.memref_squeeze %dma_wait3A_111 : memref<1x80xi32, #tpu.memory_space<vmem>> -> memref<80xi32, #tpu.memory_space<vmem>>
      %dma_wait3A_113 = arith.constant 0 : i32
      %dma_wait3A_114 = arith.constant 0 : i32
      %dma_wait3A_115 = tpu.memref_slice %arg2[%dma_wait3A_113, %dma_wait3A_114] : memref<100000x128xf32, #tpu.memory_space<hbm>> -> memref<100000x128xf32, #tpu.memory_space<hbm>>
      tpu.wait_indirect_dma semaphore(%arg7 : memref<!tpu.dma_semaphore, #tpu.memory_space<semaphore_mem>>) src(%dma_wait3A_115 : memref<100000x128xf32, #tpu.memory_space<hbm>>) dst(%dma_wait3A_109 : memref<80x128xf32, #tpu.memory_space<vmem>>)
      %add3A_116 = arith.constant 1 : i32
      %add3A_117 = arith.addi %mul3A_43, %add3A_116 : i32
      %dma_start3A_118 = arith.constant 1 : i32
      %dma_start3A_119 = arith.constant 0 : i32
      %dma_start3A_120 = arith.constant 0 : i32
      %dma_start3A_121 = tpu.memref_slice %arg6[%dma_start3A_118, %dma_start3A_119, %dma_start3A_120] : memref<2x80x128xf32, #tpu.memory_space<vmem>> -> memref<1x80x128xf32, #tpu.memory_space<vmem>>
      %dma_start3A_122 = tpu.memref_squeeze %dma_start3A_121 : memref<1x80x128xf32, #tpu.memory_space<vmem>> -> memref<80x128xf32, #tpu.memory_space<vmem>>
      %dma_start3A_123 = arith.constant 0 : i32
      %dma_start3A_124 = arith.constant 0 : i32
      %dma_start3A_125 = tpu.memref_slice %arg4[%add3A, %add3A_117, %dma_start3A_123, %dma_start3A_124] : memref<32x20x80x128xf32, #tpu.memory_space<hbm>> -> memref<1x1x80x128xf32, #tpu.memory_space<hbm>>
      %dma_start3A_126 = tpu.memref_squeeze %dma_start3A_125 : memref<1x1x80x128xf32, #tpu.memory_space<hbm>> -> memref<80x128xf32, #tpu.memory_space<hbm>>
      %dma_start3A_127 = arith.constant 0 : i32
      %dma_start3A_128 = arith.constant 0 : i32
      %dma_start3A_129 = tpu.memref_slice %arg4[%add3A, %add3A_117, %dma_start3A_127, %dma_start3A_128] : memref<32x20x80x128xf32, #tpu.memory_space<hbm>> -> memref<1x1x80x128xf32, #tpu.memory_space<hbm>>
      %dma_start3A_130 = tpu.memref_squeeze %dma_start3A_129 : memref<1x1x80x128xf32, #tpu.memory_space<hbm>> -> memref<80x128xf32, #tpu.memory_space<hbm>>
      %dma_start3A_131 = arith.constant 0 : i32
      %dma_start3A_132 = arith.constant 0 : i32
      %dma_start3A_133 = tpu.memref_slice %arg6[%dma_start3A_118, %dma_start3A_131, %dma_start3A_132] : memref<2x80x128xf32, #tpu.memory_space<vmem>> -> memref<1x80x128xf32, #tpu.memory_space<vmem>>
      %dma_start3A_134 = tpu.memref_squeeze %dma_start3A_133 : memref<1x80x128xf32, #tpu.memory_space<vmem>> -> memref<80x128xf32, #tpu.memory_space<vmem>>
      tpu.enqueue_dma source(%dma_start3A_134 : memref<80x128xf32, #tpu.memory_space<vmem>>) target(%dma_start3A_130 : memref<80x128xf32, #tpu.memory_space<hbm>>) target_semaphore(%arg8 : memref<!tpu.dma_semaphore, #tpu.memory_space<semaphore_mem>>)
    }
    %scan3A_5 = arith.constant 10 : i32
    %dma_wait3A = arith.constant 0 : i32
    %dma_wait3A_6 = arith.constant 18 : i32
    %dma_wait3A_7 = arith.constant 0 : i32
    %dma_wait3A_8 = arith.constant 0 : i32
    %dma_wait3A_9 = tpu.memref_slice %arg6[%dma_wait3A, %dma_wait3A_7, %dma_wait3A_8] : memref<2x80x128xf32, #tpu.memory_space<vmem>> -> memref<1x80x128xf32, #tpu.memory_space<vmem>>
    %dma_wait3A_10 = tpu.memref_squeeze %dma_wait3A_9 : memref<1x80x128xf32, #tpu.memory_space<vmem>> -> memref<80x128xf32, #tpu.memory_space<vmem>>
    %dma_wait3A_11 = arith.constant 0 : i32
    %dma_wait3A_12 = arith.constant 0 : i32
    %dma_wait3A_13 = tpu.memref_slice %arg4[%add3A, %dma_wait3A_6, %dma_wait3A_11, %dma_wait3A_12] : memref<32x20x80x128xf32, #tpu.memory_space<hbm>> -> memref<1x1x80x128xf32, #tpu.memory_space<hbm>>
    %dma_wait3A_14 = tpu.memref_squeeze %dma_wait3A_13 : memref<1x1x80x128xf32, #tpu.memory_space<hbm>> -> memref<80x128xf32, #tpu.memory_space<hbm>>
    %dma_wait3A_15 = arith.constant 0 : i32
    %dma_wait3A_16 = arith.constant 0 : i32
    %dma_wait3A_17 = tpu.memref_slice %arg4[%add3A, %dma_wait3A_6, %dma_wait3A_15, %dma_wait3A_16] : memref<32x20x80x128xf32, #tpu.memory_space<hbm>> -> memref<1x1x80x128xf32, #tpu.memory_space<hbm>>
    %dma_wait3A_18 = tpu.memref_squeeze %dma_wait3A_17 : memref<1x1x80x128xf32, #tpu.memory_space<hbm>> -> memref<80x128xf32, #tpu.memory_space<hbm>>
    %dma_wait3A_19 = arith.constant 0 : i32
    %dma_wait3A_20 = arith.constant 0 : i32
    %dma_wait3A_21 = tpu.memref_slice %arg6[%dma_wait3A, %dma_wait3A_19, %dma_wait3A_20] : memref<2x80x128xf32, #tpu.memory_space<vmem>> -> memref<1x80x128xf32, #tpu.memory_space<vmem>>
    %dma_wait3A_22 = tpu.memref_squeeze %dma_wait3A_21 : memref<1x80x128xf32, #tpu.memory_space<vmem>> -> memref<80x128xf32, #tpu.memory_space<vmem>>
    tpu.wait_dma2 semaphore(%arg8 : memref<!tpu.dma_semaphore, #tpu.memory_space<semaphore_mem>>) src(%dma_wait3A_22 : memref<80x128xf32, #tpu.memory_space<vmem>>) dst(%dma_wait3A_18 : memref<80x128xf32, #tpu.memory_space<hbm>>)
    %dma_wait3A_23 = arith.constant 1 : i32
    %dma_wait3A_24 = arith.constant 19 : i32
    %dma_wait3A_25 = arith.constant 0 : i32
    %dma_wait3A_26 = arith.constant 0 : i32
    %dma_wait3A_27 = tpu.memref_slice %arg6[%dma_wait3A_23, %dma_wait3A_25, %dma_wait3A_26] : memref<2x80x128xf32, #tpu.memory_space<vmem>> -> memref<1x80x128xf32, #tpu.memory_space<vmem>>
    %dma_wait3A_28 = tpu.memref_squeeze %dma_wait3A_27 : memref<1x80x128xf32, #tpu.memory_space<vmem>> -> memref<80x128xf32, #tpu.memory_space<vmem>>
    %dma_wait3A_29 = arith.constant 0 : i32
    %dma_wait3A_30 = arith.constant 0 : i32
    %dma_wait3A_31 = tpu.memref_slice %arg4[%add3A, %dma_wait3A_24, %dma_wait3A_29, %dma_wait3A_30] : memref<32x20x80x128xf32, #tpu.memory_space<hbm>> -> memref<1x1x80x128xf32, #tpu.memory_space<hbm>>
    %dma_wait3A_32 = tpu.memref_squeeze %dma_wait3A_31 : memref<1x1x80x128xf32, #tpu.memory_space<hbm>> -> memref<80x128xf32, #tpu.memory_space<hbm>>
    %dma_wait3A_33 = arith.constant 0 : i32
    %dma_wait3A_34 = arith.constant 0 : i32
    %dma_wait3A_35 = tpu.memref_slice %arg4[%add3A, %dma_wait3A_24, %dma_wait3A_33, %dma_wait3A_34] : memref<32x20x80x128xf32, #tpu.memory_space<hbm>> -> memref<1x1x80x128xf32, #tpu.memory_space<hbm>>
    %dma_wait3A_36 = tpu.memref_squeeze %dma_wait3A_35 : memref<1x1x80x128xf32, #tpu.memory_space<hbm>> -> memref<80x128xf32, #tpu.memory_space<hbm>>
    %dma_wait3A_37 = arith.constant 0 : i32
    %dma_wait3A_38 = arith.constant 0 : i32
    %dma_wait3A_39 = tpu.memref_slice %arg6[%dma_wait3A_23, %dma_wait3A_37, %dma_wait3A_38] : memref<2x80x128xf32, #tpu.memory_space<vmem>> -> memref<1x80x128xf32, #tpu.memory_space<vmem>>
    %dma_wait3A_40 = tpu.memref_squeeze %dma_wait3A_39 : memref<1x80x128xf32, #tpu.memory_space<vmem>> -> memref<80x128xf32, #tpu.memory_space<vmem>>
    tpu.wait_dma2 semaphore(%arg8 : memref<!tpu.dma_semaphore, #tpu.memory_space<semaphore_mem>>) src(%dma_wait3A_40 : memref<80x128xf32, #tpu.memory_space<vmem>>) dst(%dma_wait3A_36 : memref<80x128xf32, #tpu.memory_space<hbm>>)
    return
  }
}

module attributes {stable_mosaic.version = 14 : i64} {
  func.func @_score_body(%arg0: i32, %arg1: memref<2000x768xf32, #tpu.memory_space<vmem>>, %arg2: memref<768x32xf32, #tpu.memory_space<vmem>>, %arg3: memref<1x32xf32, #tpu.memory_space<vmem>>, %arg4: memref<2000x128xf32, #tpu.memory_space<vmem>>) attributes {dimension_semantics = [#tpu.dimension_semantics<arbitrary>], iteration_bounds = array<i64: 50>, scalar_prefetch = 0 : i64, scratch_operands = 0 : i64, tpu.core_type = #tpu.core_type<tc>, window_params = [{transform_indices = @transform_0, window_bounds = array<i64: 2000, 768>}, {pipeline_mode = #tpu.pipeline_mode<synchronous>, transform_indices = @transform_1, window_bounds = array<i64: 768, 32>}, {pipeline_mode = #tpu.pipeline_mode<synchronous>, transform_indices = @transform_2, window_bounds = array<i64: 1, 32>}, {transform_indices = @transform_3, window_bounds = array<i64: 2000, 128>}]} {
    %get3A = arith.constant 0 : index
    %get3A_0 = arith.constant 0 : index
    %get3A_1 = vector.load %arg1[%get3A, %get3A_0] : memref<2000x768xf32, #tpu.memory_space<vmem>>, vector<2000x768xf32>
    %get3A_2 = arith.constant 0 : index
    %get3A_3 = arith.constant 0 : index
    %get3A_4 = vector.load %arg2[%get3A_2, %get3A_3] : memref<768x32xf32, #tpu.memory_space<vmem>>, vector<768x32xf32>
    %dot_general3A = arith.constant dense<0.000000e+00> : vector<2000x32xf32>
    %dot_general3A_5 = tpu.matmul %get3A_1, %get3A_4, %dot_general3A {dimension_numbers = #tpu.dot_dimension_numbers<[1], [0], [0], [1], [0, 0, 1, 1], [], []>, transpose_lhs_hint = false} : vector<2000x768xf32>, vector<768x32xf32>, vector<2000x32xf32> -> vector<2000x32xf32>
    %get3A_6 = arith.constant 0 : index
    %get3A_7 = arith.constant 0 : index
    %get3A_8 = vector.load %arg3[%get3A_6, %get3A_7] : memref<1x32xf32, #tpu.memory_space<vmem>>, vector<1x32xf32>
    %add3A = vector.broadcast %get3A_8 : vector<1x32xf32> to vector<2000x32xf32>
    %add3A_9 = arith.addf %dot_general3A_5, %add3A : vector<2000x32xf32>
    %broadcast_in_dim3A = arith.constant 0.000000e+00 : f32
    %broadcast_in_dim3A_10 = vector.broadcast %broadcast_in_dim3A : f32 to vector<2000x96xf32>
    %concatenate3A = tpu.concatenate %add3A_9, %broadcast_in_dim3A_10 in 1 : vector<2000x32xf32>, vector<2000x96xf32> -> vector<2000x128xf32>
    %swap3A = arith.constant 0 : index
    %swap3A_11 = arith.constant 0 : index
    %swap3A_12 = vector.load %arg4[%swap3A, %swap3A_11] : memref<2000x128xf32, #tpu.memory_space<vmem>>, vector<2000x128xf32>
    tpu.vector_store %arg4[%swap3A, %swap3A_11], %concatenate3A {strides = array<i32>} : memref<2000x128xf32, #tpu.memory_space<vmem>>, vector<2000x128xf32>,
    return
  }
  func.func @transform_0(%arg0: i32) -> (i32, i32) {
    %c0_i32 = arith.constant 0 : i32
    %c0_i32_0 = arith.constant 0 : i32
    return %arg0, %c0_i32 : i32, i32
  }
  func.func @transform_1(%arg0: i32) -> (i32, i32) {
    %c0_i32 = arith.constant 0 : i32
    %c0_i32_0 = arith.constant 0 : i32
    %c0_i32_1 = arith.constant 0 : i32
    return %c0_i32, %c0_i32_0 : i32, i32
  }
  func.func @transform_2(%arg0: i32) -> (i32, i32) {
    %c0_i32 = arith.constant 0 : i32
    %c0_i32_0 = arith.constant 0 : i32
    %c0_i32_1 = arith.constant 0 : i32
    return %c0_i32, %c0_i32_0 : i32, i32
  }
  func.func @transform_3(%arg0: i32) -> (i32, i32) {
    %c0_i32 = arith.constant 0 : i32
    %c0_i32_0 = arith.constant 0 : i32
    return %arg0, %c0_i32 : i32, i32
  }
}

module attributes {stable_mosaic.version = 14 : i64} {
  func.func @_final_body(%arg0: i32, %arg1: memref<2x50x32x128xf32, #tpu.memory_space<vmem>>, %arg2: memref<50x32x768xf32, #tpu.memory_space<vmem>>, %arg3: memref<50x32x768xf32, #tpu.memory_space<vmem>>, %arg4: memref<1x1x32xi32, #tpu.memory_space<vmem>>, %arg5: memref<1x1x32xi32, #tpu.memory_space<vmem>>, %arg6: memref<1536x8xf32, #tpu.memory_space<vmem>>, %arg7: memref<4x2xf32, #tpu.memory_space<vmem>>, %arg8: memref<32x2xf32, #tpu.memory_space<vmem>>, %arg9: memref<1x1xf32, #tpu.memory_space<vmem>>) attributes {dimension_semantics = [#tpu.dimension_semantics<arbitrary>], iteration_bounds = array<i64: 16>, scalar_prefetch = 0 : i64, scratch_operands = 0 : i64, tpu.core_type = #tpu.core_type<tc>, window_params = [{transform_indices = @transform_0, window_bounds = array<i64: 2, 50, 32, 128>}, {transform_indices = @transform_1, window_bounds = array<i64: 50, 32, 768>}, {transform_indices = @transform_2, window_bounds = array<i64: 50, 32, 768>}, {transform_indices = @transform_3, window_bounds = array<i64: 1, 1, 32>}, {transform_indices = @transform_4, window_bounds = array<i64: 1, 1, 32>}, {pipeline_mode = #tpu.pipeline_mode<synchronous>, transform_indices = @transform_5, window_bounds = array<i64: 1536, 8>}, {pipeline_mode = #tpu.pipeline_mode<synchronous>, transform_indices = @transform_6, window_bounds = array<i64: 4, 2>}, {transform_indices = @transform_7, window_bounds = array<i64: 32, 2>}, {pipeline_mode = #tpu.pipeline_mode<synchronous>, transform_indices = @transform_8, window_bounds = array<i64: 1, 1>}]} {
    %get3A = arith.constant 0 : index
    %get3A_0 = arith.constant 0 : index
    %get3A_1 = arith.constant 0 : index
    %get3A_2 = vector.load %arg4[%get3A, %get3A_0, %get3A_1] : memref<1x1x32xi32, #tpu.memory_space<vmem>>, vector<1x1x32xi32>
    %reshape3A = vector.shape_cast %get3A_2 : vector<1x1x32xi32> to vector<32x1xi32>
    %iota3A = tpu.iota {dimensions = array<i32: 1>} : vector<1x32xi32>
    %iota3A_3 = tpu.iota {dimensions = array<i32: 1>} : vector<1x4xi32>
    %jit3A = arith.constant 8 : i32
    %div3A = vector.broadcast %jit3A : i32 to vector<1x32xi32>
    %div3A_4 = arith.divsi %iota3A, %div3A : vector<1x32xi32>
    %sign3A = arith.constant 0 : i32
    %sign3A_5 = vector.broadcast %sign3A : i32 to vector<1x32xi32>
    %sign3A_6 = arith.cmpi sgt, %iota3A, %sign3A_5 : vector<1x32xi32>
    %sign3A_7 = arith.extui %sign3A_6 : vector<1x32xi1> to vector<1x32xi32>
    %sign3A_8 = arith.constant 0 : i32
    %sign3A_9 = vector.broadcast %sign3A_8 : i32 to vector<1x32xi32>
    %sign3A_10 = arith.cmpi slt, %iota3A, %sign3A_9 : vector<1x32xi32>
    %sign3A_11 = arith.extui %sign3A_10 : vector<1x32xi1> to vector<1x32xi32>
    %sign3A_12 = arith.subi %sign3A_7, %sign3A_11 : vector<1x32xi32>
    %sign3A_13 = arith.constant 0 : i32
    %sign3A_14 = arith.cmpi sgt, %jit3A, %sign3A_13 : i32
    %sign3A_15 = arith.extui %sign3A_14 : i1 to i32
    %sign3A_16 = arith.constant 0 : i32
    %sign3A_17 = arith.cmpi slt, %jit3A, %sign3A_16 : i32
    %sign3A_18 = arith.extui %sign3A_17 : i1 to i32
    %sign3A_19 = arith.subi %sign3A_15, %sign3A_18 : i32
    %ne3A = vector.broadcast %sign3A_19 : i32 to vector<1x32xi32>
    %ne3A_20 = arith.cmpi ne, %sign3A_12, %ne3A : vector<1x32xi32>
    %rem3A = vector.broadcast %jit3A : i32 to vector<1x32xi32>
    %rem3A_21 = arith.remsi %iota3A, %rem3A : vector<1x32xi32>
    %ne3A_22 = arith.constant 0 : i32
    %ne3A_23 = vector.broadcast %ne3A_22 : i32 to vector<1x32xi32>
    %ne3A_24 = arith.cmpi ne, %rem3A_21, %ne3A_23 : vector<1x32xi32>
    %and3A = arith.andi %ne3A_20, %ne3A_24 : vector<1x32xi1>
    %sub3A = arith.constant 1 : i32
    %sub3A_25 = vector.broadcast %sub3A : i32 to vector<1x32xi32>
    %sub3A_26 = arith.subi %div3A_4, %sub3A_25 : vector<1x32xi32>
    %select_n3A = arith.select %and3A, %sub3A_26, %div3A_4 : vector<1x32xi1>, vector<1x32xi32>
    %eq3A = vector.broadcast %select_n3A : vector<1x32xi32> to vector<32x32xi32>
    %eq3A_27 = vector.broadcast %reshape3A : vector<32x1xi32> to vector<32x32xi32>
    %eq3A_28 = arith.cmpi eq, %eq3A, %eq3A_27 : vector<32x32xi32>
    %jit3A_29 = arith.constant 1.250000e-01 : f32
    %jit3A_30 = arith.constant 0.000000e+00 : f32
    %broadcast_in_dim3A = vector.broadcast %jit3A_29 : f32 to vector<32x32xf32>
    %broadcast_in_dim3A_31 = vector.broadcast %jit3A_30 : f32 to vector<32x32xf32>
    %select_n3A_32 = arith.select %eq3A_28, %broadcast_in_dim3A, %broadcast_in_dim3A_31 : vector<32x32xi1>, vector<32x32xf32>
    %eq3A_33 = vector.broadcast %iota3A_3 : vector<1x4xi32> to vector<32x4xi32>
    %eq3A_34 = vector.broadcast %reshape3A : vector<32x1xi32> to vector<32x4xi32>
    %eq3A_35 = arith.cmpi eq, %eq3A_33, %eq3A_34 : vector<32x4xi32>
    %jit3A_36 = arith.constant 1.000000e+00 : f32
    %jit3A_37 = arith.constant 0.000000e+00 : f32
    %broadcast_in_dim3A_38 = vector.broadcast %jit3A_36 : f32 to vector<32x4xf32>
    %broadcast_in_dim3A_39 = vector.broadcast %jit3A_37 : f32 to vector<32x4xf32>
    %select_n3A_40 = arith.select %eq3A_35, %broadcast_in_dim3A_38, %broadcast_in_dim3A_39 : vector<32x4xi1>, vector<32x4xf32>
    %get3A_41 = arith.constant 0 : index
    %get3A_42 = arith.constant 0 : index
    %get3A_43 = arith.constant 0 : index
    %get3A_44 = arith.constant 0 : index
    %get3A_45 = vector.load %arg1[%get3A_41, %get3A_42, %get3A_43, %get3A_44] : memref<2x50x32x128xf32, #tpu.memory_space<vmem>>, vector<1x50x32x32xf32>
    %get3A_46 = vector.shape_cast %get3A_45 : vector<1x50x32x32xf32> to vector<50x32x32xf32>
    %get3A_47 = arith.constant 0 : index
    %get3A_48 = arith.constant 0 : index
    %get3A_49 = arith.constant 0 : index
    %get3A_50 = vector.load %arg2[%get3A_47, %get3A_48, %get3A_49] : memref<50x32x768xf32, #tpu.memory_space<vmem>>, vector<50x32x768xf32>
    %max3A = arith.constant 0.000000e+00 : f32
    %max3A_51 = vector.broadcast %max3A : f32 to vector<50x32x32xf32>
    %max3A_52 = arith.maximumf %get3A_46, %max3A_51 : vector<50x32x32xf32>
    %reduce_max3A = arith.constant dense<0xFF800000> : vector<32x32xf32>
    %reduce_max3A_53 = vector.multi_reduction <maximumf>, %max3A_52, %reduce_max3A [0] : vector<50x32x32xf32> to vector<32x32xf32>
    %broadcast_in_dim3A_54 = vector.shape_cast %reduce_max3A_53 : vector<32x32xf32> to vector<1x32x32xf32>
    %sub3A_55 = vector.broadcast %broadcast_in_dim3A_54 : vector<1x32x32xf32> to vector<50x32x32xf32>
    %sub3A_56 = arith.subf %max3A_52, %sub3A_55 : vector<50x32x32xf32>
    %exp3A = math.exp %sub3A_56 : vector<50x32x32xf32>
    %reduce_sum3A = arith.constant dense<0.000000e+00> : vector<32x32xf32>
    %reduce_sum3A_57 = vector.multi_reduction <add>, %exp3A, %reduce_sum3A [0] : vector<50x32x32xf32> to vector<32x32xf32>
    %broadcast_in_dim3A_58 = vector.shape_cast %reduce_sum3A_57 : vector<32x32xf32> to vector<1x32x32xf32>
    %div3A_59 = vector.broadcast %broadcast_in_dim3A_58 : vector<1x32x32xf32> to vector<50x32x32xf32>
    %div3A_60 = arith.divf %exp3A, %div3A_59 : vector<50x32x32xf32>
    %broadcast_in_dim3A_61 = vector.shape_cast %select_n3A_32 : vector<32x32xf32> to vector<1x32x32xf32>
    %mul3A = vector.broadcast %broadcast_in_dim3A_61 : vector<1x32x32xf32> to vector<50x32x32xf32>
    %mul3A_62 = arith.mulf %div3A_60, %mul3A : vector<50x32x32xf32>
    %reduce_sum3A_63 = arith.constant dense<0.000000e+00> : vector<50x32xf32>
    %reduce_sum3A_64 = vector.multi_reduction <add>, %mul3A_62, %reduce_sum3A_63 [2] : vector<50x32x32xf32> to vector<50x32xf32>
    %broadcast_in_dim3A_65 = vector.shape_cast %reduce_sum3A_64 : vector<50x32xf32> to vector<50x32x1xf32>
    %mul3A_66 = vector.broadcast %broadcast_in_dim3A_65 : vector<50x32x1xf32> to vector<50x32x768xf32>
    %mul3A_67 = arith.mulf %mul3A_66, %get3A_50 : vector<50x32x768xf32>
    %reduce_sum3A_68 = arith.constant dense<0.000000e+00> : vector<32x768xf32>
    %reduce_sum3A_69 = vector.multi_reduction <add>, %mul3A_67, %reduce_sum3A_68 [0] : vector<50x32x768xf32> to vector<32x768xf32>
    %get3A_70 = arith.constant 1 : index
    %get3A_71 = arith.constant 0 : index
    %get3A_72 = arith.constant 0 : index
    %get3A_73 = arith.constant 0 : index
    %get3A_74 = vector.load %arg1[%get3A_70, %get3A_71, %get3A_72, %get3A_73] : memref<2x50x32x128xf32, #tpu.memory_space<vmem>>, vector<1x50x32x32xf32>
    %get3A_75 = vector.shape_cast %get3A_74 : vector<1x50x32x32xf32> to vector<50x32x32xf32>
    %get3A_76 = arith.constant 0 : index
    %get3A_77 = arith.constant 0 : index
    %get3A_78 = arith.constant 0 : index
    %get3A_79 = vector.load %arg3[%get3A_76, %get3A_77, %get3A_78] : memref<50x32x768xf32, #tpu.memory_space<vmem>>, vector<50x32x768xf32>
    %max3A_80 = arith.constant 0.000000e+00 : f32
    %max3A_81 = vector.broadcast %max3A_80 : f32 to vector<50x32x32xf32>
    %max3A_82 = arith.maximumf %get3A_75, %max3A_81 : vector<50x32x32xf32>
    %reduce_max3A_83 = arith.constant dense<0xFF800000> : vector<32x32xf32>
    %reduce_max3A_84 = vector.multi_reduction <maximumf>, %max3A_82, %reduce_max3A_83 [0] : vector<50x32x32xf32> to vector<32x32xf32>
    %broadcast_in_dim3A_85 = vector.shape_cast %reduce_max3A_84 : vector<32x32xf32> to vector<1x32x32xf32>
    %sub3A_86 = vector.broadcast %broadcast_in_dim3A_85 : vector<1x32x32xf32> to vector<50x32x32xf32>
    %sub3A_87 = arith.subf %max3A_82, %sub3A_86 : vector<50x32x32xf32>
    %exp3A_88 = math.exp %sub3A_87 : vector<50x32x32xf32>
    %reduce_sum3A_89 = arith.constant dense<0.000000e+00> : vector<32x32xf32>
    %reduce_sum3A_90 = vector.multi_reduction <add>, %exp3A_88, %reduce_sum3A_89 [0] : vector<50x32x32xf32> to vector<32x32xf32>
    %broadcast_in_dim3A_91 = vector.shape_cast %reduce_sum3A_90 : vector<32x32xf32> to vector<1x32x32xf32>
    %div3A_92 = vector.broadcast %broadcast_in_dim3A_91 : vector<1x32x32xf32> to vector<50x32x32xf32>
    %div3A_93 = arith.divf %exp3A_88, %div3A_92 : vector<50x32x32xf32>
    %broadcast_in_dim3A_94 = vector.shape_cast %select_n3A_32 : vector<32x32xf32> to vector<1x32x32xf32>
    %mul3A_95 = vector.broadcast %broadcast_in_dim3A_94 : vector<1x32x32xf32> to vector<50x32x32xf32>
    %mul3A_96 = arith.mulf %div3A_93, %mul3A_95 : vector<50x32x32xf32>
    %reduce_sum3A_97 = arith.constant dense<0.000000e+00> : vector<50x32xf32>
    %reduce_sum3A_98 = vector.multi_reduction <add>, %mul3A_96, %reduce_sum3A_97 [2] : vector<50x32x32xf32> to vector<50x32xf32>
    %broadcast_in_dim3A_99 = vector.shape_cast %reduce_sum3A_98 : vector<50x32xf32> to vector<50x32x1xf32>
    %mul3A_100 = vector.broadcast %broadcast_in_dim3A_99 : vector<50x32x1xf32> to vector<50x32x768xf32>
    %mul3A_101 = arith.mulf %mul3A_100, %get3A_79 : vector<50x32x768xf32>
    %reduce_sum3A_102 = arith.constant dense<0.000000e+00> : vector<32x768xf32>
    %reduce_sum3A_103 = vector.multi_reduction <add>, %mul3A_101, %reduce_sum3A_102 [0] : vector<50x32x768xf32> to vector<32x768xf32>
    %get3A_104 = arith.constant 0 : index
    %get3A_105 = arith.constant 0 : index
    %get3A_106 = vector.load %arg6[%get3A_104, %get3A_105] : memref<1536x8xf32, #tpu.memory_space<vmem>>, vector<1536x8xf32>
    %slice3A = vector.extract_strided_slice %get3A_106 {offsets = [0, 0], sizes = [768, 8], strides = [1, 1]} : vector<1536x8xf32> to vector<768x8xf32>
    %dot_general3A = arith.constant dense<0.000000e+00> : vector<32x8xf32>
    %dot_general3A_107 = tpu.matmul %reduce_sum3A_69, %slice3A, %dot_general3A {dimension_numbers = #tpu.dot_dimension_numbers<[1], [0], [0], [1], [0, 0, 1, 1], [], []>, precision = #tpu.contract_precision<fp32>, transpose_lhs_hint = false} : vector<32x768xf32>, vector<768x8xf32>, vector<32x8xf32> -> vector<32x8xf32>
    %slice3A_108 = vector.extract_strided_slice %get3A_106 {offsets = [768, 0], sizes = [768, 8], strides = [1, 1]} : vector<1536x8xf32> to vector<768x8xf32>
    %dot_general3A_109 = arith.constant dense<0.000000e+00> : vector<32x8xf32>
    %dot_general3A_110 = tpu.matmul %reduce_sum3A_103, %slice3A_108, %dot_general3A_109 {dimension_numbers = #tpu.dot_dimension_numbers<[1], [0], [0], [1], [0, 0, 1, 1], [], []>, precision = #tpu.contract_precision<fp32>, transpose_lhs_hint = false} : vector<32x768xf32>, vector<768x8xf32>, vector<32x8xf32> -> vector<32x8xf32>
    %add3A = arith.addf %dot_general3A_107, %dot_general3A_110 : vector<32x8xf32>
    %slice3A_111 = vector.extract_strided_slice %add3A {offsets = [0, 0], sizes = [32, 4], strides = [1, 1]} : vector<32x8xf32> to vector<32x4xf32>
    %mul3A_112 = arith.mulf %slice3A_111, %select_n3A_40 : vector<32x4xf32>
    %reduce_sum3A_113 = arith.constant dense<0.000000e+00> : vector<32xf32>
    %reduce_sum3A_114 = vector.multi_reduction <add>, %mul3A_112, %reduce_sum3A_113 [1] : vector<32x4xf32> to vector<32xf32>
    %broadcast_in_dim3A_115 = vector.shape_cast %reduce_sum3A_114 : vector<32xf32> to vector<32x1xf32>
    %slice3A_116 = vector.extract_strided_slice %add3A {offsets = [0, 4], sizes = [32, 4], strides = [1, 1]} : vector<32x8xf32> to vector<32x4xf32>
    %mul3A_117 = arith.mulf %slice3A_116, %select_n3A_40 : vector<32x4xf32>
    %reduce_sum3A_118 = arith.constant dense<0.000000e+00> : vector<32xf32>
    %reduce_sum3A_119 = vector.multi_reduction <add>, %mul3A_117, %reduce_sum3A_118 [1] : vector<32x4xf32> to vector<32xf32>
    %broadcast_in_dim3A_120 = vector.shape_cast %reduce_sum3A_119 : vector<32xf32> to vector<32x1xf32>
    %concatenate3A = tpu.concatenate %broadcast_in_dim3A_115, %broadcast_in_dim3A_120 in 1 : vector<32x1xf32>, vector<32x1xf32> -> vector<32x2xf32>
    %get3A_121 = arith.constant 0 : index
    %get3A_122 = arith.constant 0 : index
    %get3A_123 = vector.load %arg7[%get3A_121, %get3A_122] : memref<4x2xf32, #tpu.memory_space<vmem>>, vector<4x2xf32>
    %dot_general3A_124 = arith.constant dense<0.000000e+00> : vector<32x2xf32>
    %dot_general3A_125 = tpu.matmul %select_n3A_40, %get3A_123, %dot_general3A_124 {dimension_numbers = #tpu.dot_dimension_numbers<[1], [0], [0], [1], [0, 0, 1, 1], [], []>, precision = #tpu.contract_precision<fp32>, transpose_lhs_hint = false} : vector<32x4xf32>, vector<4x2xf32>, vector<32x2xf32> -> vector<32x2xf32>
    %add3A_126 = arith.addf %concatenate3A, %dot_general3A_125 : vector<32x2xf32>
    %swap3A = arith.constant 0 : index
    %swap3A_127 = arith.constant 0 : index
    %swap3A_128 = vector.load %arg8[%swap3A, %swap3A_127] : memref<32x2xf32, #tpu.memory_space<vmem>>, vector<32x2xf32>
    tpu.vector_store %arg8[%swap3A, %swap3A_127], %add3A_126 {strides = array<i32>} : memref<32x2xf32, #tpu.memory_space<vmem>>, vector<32x2xf32>,
    %reduce_max3A_129 = arith.constant dense<0xFF800000> : vector<32xf32>
    %reduce_max3A_130 = vector.multi_reduction <maximumf>, %add3A_126, %reduce_max3A_129 [1] : vector<32x2xf32> to vector<32xf32>
    %broadcast_in_dim3A_131 = vector.shape_cast %reduce_max3A_130 : vector<32xf32> to vector<32x1xf32>
    %sub3A_132 = vector.broadcast %broadcast_in_dim3A_131 : vector<32x1xf32> to vector<32x2xf32>
    %sub3A_133 = arith.subf %add3A_126, %sub3A_132 : vector<32x2xf32>
    %exp3A_134 = math.exp %sub3A_133 : vector<32x2xf32>
    %reduce_sum3A_135 = arith.constant dense<0.000000e+00> : vector<32xf32>
    %reduce_sum3A_136 = vector.multi_reduction <add>, %exp3A_134, %reduce_sum3A_135 [1] : vector<32x2xf32> to vector<32xf32>
    %broadcast_in_dim3A_137 = vector.shape_cast %reduce_sum3A_136 : vector<32xf32> to vector<32x1xf32>
    %log3A = math.log %broadcast_in_dim3A_137 : vector<32x1xf32>
    %add3A_138 = arith.addf %broadcast_in_dim3A_131, %log3A : vector<32x1xf32>
    %get3A_139 = arith.constant 0 : index
    %get3A_140 = arith.constant 0 : index
    %get3A_141 = arith.constant 0 : index
    %get3A_142 = vector.load %arg5[%get3A_139, %get3A_140, %get3A_141] : memref<1x1x32xi32, #tpu.memory_space<vmem>>, vector<1x1x32xi32>
    %reshape3A_143 = vector.shape_cast %get3A_142 : vector<1x1x32xi32> to vector<32x1xi32>
    %iota3A_144 = tpu.iota {dimensions = array<i32: 1>} : vector<1x2xi32>
    %eq3A_145 = vector.broadcast %iota3A_144 : vector<1x2xi32> to vector<32x2xi32>
    %eq3A_146 = vector.broadcast %reshape3A_143 : vector<32x1xi32> to vector<32x2xi32>
    %eq3A_147 = arith.cmpi eq, %eq3A_145, %eq3A_146 : vector<32x2xi32>
    %jit3A_148 = arith.constant 1.000000e+00 : f32
    %jit3A_149 = arith.constant 0.000000e+00 : f32
    %broadcast_in_dim3A_150 = vector.broadcast %jit3A_148 : f32 to vector<32x2xf32>
    %broadcast_in_dim3A_151 = vector.broadcast %jit3A_149 : f32 to vector<32x2xf32>
    %select_n3A_152 = arith.select %eq3A_147, %broadcast_in_dim3A_150, %broadcast_in_dim3A_151 : vector<32x2xi1>, vector<32x2xf32>
    %mul3A_153 = arith.mulf %add3A_126, %select_n3A_152 : vector<32x2xf32>
    %reduce_sum3A_154 = arith.constant dense<0.000000e+00> : vector<32xf32>
    %reduce_sum3A_155 = vector.multi_reduction <add>, %mul3A_153, %reduce_sum3A_154 [1] : vector<32x2xf32> to vector<32xf32>
    %broadcast_in_dim3A_156 = vector.shape_cast %reduce_sum3A_155 : vector<32xf32> to vector<32x1xf32>
    %sub3A_157 = arith.subf %add3A_138, %broadcast_in_dim3A_156 : vector<32x1xf32>
    %reduce_sum3A_158 = vector.shape_cast %sub3A_157 : vector<32x1xf32> to vector<1x32x1xf32>
    %reduce_sum3A_159 = arith.constant dense<0.000000e+00> : vector<1xf32>
    %reduce_sum3A_160 = vector.multi_reduction <add>, %reduce_sum3A_158, %reduce_sum3A_159 [1, 2] : vector<1x32x1xf32> to vector<1xf32>
    %reduce_sum3A_161 = vector.shape_cast %reduce_sum3A_160 : vector<1xf32> to vector<1x1x1xf32>
    %reduce_sum3A_162 = vector.extract %reduce_sum3A_161[0, 0, 0] : f32 from vector<1x1x1xf32>
    %eq3A_163 = arith.constant 0 : i32
    %eq3A_164 = arith.cmpi eq, %arg0, %eq3A_163 : i32
    %convert_element_type3A = arith.extui %eq3A_164 : i1 to i32
    %cond3A = arith.constant 0 : i32
    %cond3A_165 = arith.cmpi ne, %convert_element_type3A, %cond3A : i32
    scf.if %cond3A_165 {
      %broadcast_in_dim3A_179 = arith.constant 0.000000e+00 : f32
      %broadcast_in_dim3A_180 = vector.broadcast %broadcast_in_dim3A_179 : f32 to vector<1x1xf32>
      %swap3A_181 = arith.constant 0 : index
      %swap3A_182 = arith.constant 0 : index
      %swap3A_183 = vector.load %arg9[%swap3A_181, %swap3A_182] : memref<1x1xf32, #tpu.memory_space<vmem>>, vector<1x1xf32>
      tpu.vector_store %arg9[%swap3A_181, %swap3A_182], %broadcast_in_dim3A_180 {strides = array<i32>} : memref<1x1xf32, #tpu.memory_space<vmem>>, vector<1x1xf32>,
    } else {
    }
    %get3A_166 = arith.constant 0 : index
    %get3A_167 = arith.constant 0 : index
    %get3A_168 = vector.load %arg9[%get3A_166, %get3A_167] : memref<1x1xf32, #tpu.memory_space<vmem>>, vector<1x1xf32>
    %add3A_169 = vector.broadcast %reduce_sum3A_162 : f32 to vector<1x1xf32>
    %add3A_170 = arith.addf %get3A_168, %add3A_169 : vector<1x1xf32>
    %swap3A_171 = arith.constant 0 : index
    %swap3A_172 = arith.constant 0 : index
    %swap3A_173 = vector.load %arg9[%swap3A_171, %swap3A_172] : memref<1x1xf32, #tpu.memory_space<vmem>>, vector<1x1xf32>
    tpu.vector_store %arg9[%swap3A_171, %swap3A_172], %add3A_170 {strides = array<i32>} : memref<1x1xf32, #tpu.memory_space<vmem>>, vector<1x1xf32>,
    %eq3A_174 = arith.constant 15 : i32
    %eq3A_175 = arith.cmpi eq, %arg0, %eq3A_174 : i32
    %convert_element_type3A_176 = arith.extui %eq3A_175 : i1 to i32
    %cond3A_177 = arith.constant 0 : i32
    %cond3A_178 = arith.cmpi ne, %convert_element_type3A_176, %cond3A_177 : i32
    scf.if %cond3A_178 {
      %get3A_179 = arith.constant 0 : index
      %get3A_180 = arith.constant 0 : index
      %get3A_181 = vector.load %arg9[%get3A_179, %get3A_180] : memref<1x1xf32, #tpu.memory_space<vmem>>, vector<1x1xf32>
      %mul3A_182 = arith.constant 0.001953125 : f32
      %mul3A_183 = vector.broadcast %mul3A_182 : f32 to vector<1x1xf32>
      %mul3A_184 = arith.mulf %get3A_181, %mul3A_183 : vector<1x1xf32>
      %swap3A_185 = arith.constant 0 : index
      %swap3A_186 = arith.constant 0 : index
      %swap3A_187 = vector.load %arg9[%swap3A_185, %swap3A_186] : memref<1x1xf32, #tpu.memory_space<vmem>>, vector<1x1xf32>
      tpu.vector_store %arg9[%swap3A_185, %swap3A_186], %mul3A_184 {strides = array<i32>} : memref<1x1xf32, #tpu.memory_space<vmem>>, vector<1x1xf32>,
    } else {
    }
    return
  }
  func.func @transform_0(%arg0: i32) -> (i32, i32, i32, i32) {
    %c0_i32 = arith.constant 0 : i32
    %c0_i32_0 = arith.constant 0 : i32
    %c0_i32_1 = arith.constant 0 : i32
    %c0_i32_2 = arith.constant 0 : i32
    return %c0_i32, %c0_i32_0, %arg0, %c0_i32_1 : i32, i32, i32, i32
  }
  func.func @transform_1(%arg0: i32) -> (i32, i32, i32) {
    %c0_i32 = arith.constant 0 : i32
    %c0_i32_0 = arith.constant 0 : i32
    %c0_i32_1 = arith.constant 0 : i32
    return %c0_i32, %arg0, %c0_i32_0 : i32, i32, i32
  }
  func.func @transform_2(%arg0: i32) -> (i32, i32, i32) {
    %c0_i32 = arith.constant 0 : i32
    %c0_i32_0 = arith.constant 0 : i32
    %c0_i32_1 = arith.constant 0 : i32
    return %c0_i32, %arg0, %c0_i32_0 : i32, i32, i32
  }
  func.func @transform_3(%arg0: i32) -> (i32, i32, i32) {
    %c0_i32 = arith.constant 0 : i32
    %c0_i32_0 = arith.constant 0 : i32
    %c0_i32_1 = arith.constant 0 : i32
    return %arg0, %c0_i32, %c0_i32_0 : i32, i32, i32
  }
  func.func @transform_4(%arg0: i32) -> (i32, i32, i32) {
    %c0_i32 = arith.constant 0 : i32
    %c0_i32_0 = arith.constant 0 : i32
    %c0_i32_1 = arith.constant 0 : i32
    return %arg0, %c0_i32, %c0_i32_0 : i32, i32, i32
  }
  func.func @transform_5(%arg0: i32) -> (i32, i32) {
    %c0_i32 = arith.constant 0 : i32
    %c0_i32_0 = arith.constant 0 : i32
    %c0_i32_1 = arith.constant 0 : i32
    return %c0_i32, %c0_i32_0 : i32, i32
  }
  func.func @transform_6(%arg0: i32) -> (i32, i32) {
    %c0_i32 = arith.constant 0 : i32
    %c0_i32_0 = arith.constant 0 : i32
    %c0_i32_1 = arith.constant 0 : i32
    return %c0_i32, %c0_i32_0 : i32, i32
  }
  func.func @transform_7(%arg0: i32) -> (i32, i32) {
    %c0_i32 = arith.constant 0 : i32
    %c0_i32_0 = arith.constant 0 : i32
    return %arg0, %c0_i32 : i32, i32
  }
  func.func @transform_8(%arg0: i32) -> (i32, i32) {
    %c0_i32 = arith.constant 0 : i32
    %c0_i32_0 = arith.constant 0 : i32
    %c0_i32_1 = arith.constant 0 : i32
    return %c0_i32, %c0_i32_0 : i32, i32
  }
}

</mosaic_0001>

<sc_bundles>
// kernel: kernel.5.cloned.1.call-start
scs
__scs_entry_jumppad:
0x0: {  	(pc) =	sbr.rel $0x88, $3  }
0x1: {  	(tag) =	ssettag $0x0;
	lr =	simm.s32 $0x1  }
0x2: {  	[smem:$0x3F96] =	sst lr;
	_ =	strace $0xD0000000  }
0x3: {  	_ = 	snop  }
0x4: {  	_ = 	snop  }
0x5: {  	_ = 	snop  }
0x6: {  	_ = 	snop  }
0x7: {  	_ = 	snop  }
__scs_overlays_trampoline_lowered:
0x8: {  	[smem:$0x3FA5] =	sst s0  }
0x9: {  	[smem:$0x3FA6] =	sst s1  }
0xa: {  	[smem:$0x3FA7] =	sst s2  }
0xb: {  	[smem:$0x3FA8] =	sst s3  }
0xc: {  	[smem:$0x3FA9] =	sst s4  }
0xd: {  	[smem:$0x3FAA] =	sst s5  }
0xe: {  	[smem:$0x3FAB] =	sst s6  }
0xf: {  	[smem:$0x3FAC] =	sst s7  }
0x10: {  	[smem:$0x3FAD] =	sst s8  }
0x11: {  	[smem:$0x3FAE] =	sst s9;
	s0 =	simm.s32 @!p0 $0x0  }
0x12: {  	s1 =	sld [smem:$0x3F94];
	s0 =	simm.s32 @p0 $0x1  }
0x13: {  	[smem:$0x3FAF] =	sst s0;
	s0 =	simm.s32 @!p1 $0x0  }
0x14: {  	s2 =	sld [smem:$0x3F93];
	s0 =	simm.s32 @p1 $0x1  }
0x15: {  	[smem:$0x3FB0] =	sst s0;
	s0 =	simm.s32 @!p2 $0x0  }
0x16: {  	s3 =	sld [smem:$0x3FDB];
	s0 =	simm.s32 @p2 $0x1  }
0x17: {  	s4 =	simm.s32 $0x1BF5;
	[smem:$0x3FB2] =	sst s0  }
0x18: {  	s0 =	sld [smem:$0x3F95];
	_ =	swait.ge [sflag:s4], $0x0  }
0x19: {  	s7 =	sld [smem:$0x3F96]  }
0x1a: {  	s8 =	sadd.s32 $0xFFFFE003, lr  }
0x1b: {  	s9 =	sadd.s32 $0xFFFFFEF7, lr;
	s5 =	simm.s32 $0xFFFFFFFF;
	p2 =	slt.u32 s8, $0xFFFFF086  }
0x1c: {  	p1 =	slt.u32 s9, $0xF7A;
	s5 =	simm.s32 @!p2 $0x0  }
0x1d: {  	s5 =	simm.s32 @p1 $0x1;
	p0 =	seq.s32 s7, s2  }
0x1e: {  	s7 =	smul.u32 @!p0 $0xF7A, s2;
	p2 =	seq.s32 @!p0 s5, $0x0  }
0x1f: {  	s9 =	smul.u32 $0xF7A, s1;
	s8 =	simm.s32 @!p0 $0x1BF5;
	p2 =	por !p2, p0  }
0x20: {  	[sflag:s8] =	ssyncset.s32 @!p0 $0xFFFFF086;
	s6 =	sadd.s32 @!p0 s3, s7;
	s7 =	simm.s32 @!p0 $0x108  }
0x21: {  	s3 =	sadd.s32 s3, s9;
	s6 =	sadd.s32 @!p0 $0x88, s6;
	s7 =	simm.s32 @p2 $0x1082  }
0x22: {  	[simem:s7], [sflag:s8] =	dma.local @!p0 [hbm:s6], $0xF7A  }
0x23: {  	s9 =	sor.u32 $0xD0000000, s2;
	s6 =	simm.s32 $0x108;
	_ =	swait.ge @!p0 [sflag:s8], $0x0  }
0x24: {  	s3 =	sadd.s32 $0x88, s3;
	s6 =	simm.s32 @!p1 $0x1082;
	[sflag:s4] =	ssyncset.s32 $0xFFFFF086  }
0x25: {  	[simem:s6], [sflag:s4] =	dma.local [hbm:s3], $0xF7A  }
0x26: {  	[smem:$0x3F96] =	sst s1;
	(tag) =	ssettag s2;
	_ =	strace s9  }
0x27: {  	s1 =	sld [smem:$0x3FA6]  }
0x28: {  	s2 =	sld [smem:$0x3FA7]  }
0x29: {  	s4 =	sld [smem:$0x3FA9]  }
0x2a: {  	p0 =	seq.s32 s5, $0x0;
	s5 =	sld [smem:$0x3FAA]  }
0x2b: {  	s6 =	sld [smem:$0x3FAB]  }
0x2c: {  	s7 =	sld [smem:$0x3FAC]  }
0x2d: {  	s3 =	simm.s32 $0x108;
	s8 =	sld [smem:$0x3FAD]  }
0x2e: {  	s3 =	simm.s32 @!p0 $0x1082;
	s9 =	sld [smem:$0x3FAE]  }
0x2f: {  	lr =	sadd.s32 s0, s3;
	s0 =	sld [smem:$0x3FA5]  }
0x30: {  	s3 =	sld [smem:$0x3FA8]  }
0x31: {  	[smem:$0x3FB1] =	sst s10  }
0x32: {  	s10 =	sld [smem:$0x3FAF];
	_ =	sdelay $0x3  }
0x33: {  	p0 =	seq.s32 s10, $0x1;
	s10 =	sld [smem:$0x3FB1];
	_ =	sdelay $0x3  }
0x34: {  	[smem:$0x3FB1] =	sst s10  }
0x35: {  	s10 =	sld [smem:$0x3FB0];
	_ =	sdelay $0x3  }
0x36: {  	p1 =	seq.s32 s10, $0x1;
	s10 =	sld [smem:$0x3FB1];
	_ =	sdelay $0x3  }
0x37: {  	[smem:$0x3FB1] =	sst s10  }
0x38: {  	s10 =	sld [smem:$0x3FB2]  }
0x39: {  	_ = 	snop;
	(pc) =	sbr.ind lr, $3  }
0x3a: {  	_ = 	snop  }
0x3b: {  	_ = 	snop  }
0x3c: {  	p2 =	seq.s32 s10, $0x1;
	s10 =	sld [smem:$0x3FB1]  }
0x3d: {  	_ =	shalt  }
0x3e: {  	_ =	shalt  }
0x3f: {  	_ =	shalt  }
0x40: {  	_ =	shalt  }
0x41: {  	_ =	shalt  }
0x42: {  	_ =	shalt  }
0x43: {  	_ =	shalt  }
0x44: {  	_ =	shalt  }
0x45: {  	_ =	shalt  }
0x46: {  	_ =	shalt  }
0x47: {  	_ =	shalt  }
0x48: {  	_ =	shalt  }
0x49: {  	_ =	shalt  }
0x4a: {  	_ =	shalt  }
0x4b: {  	_ =	shalt  }
0x4c: {  	_ =	shalt  }
0x4d: {  	_ =	shalt  }
0x4e: {  	_ =	shalt  }
0x4f: {  	_ =	shalt  }
0x50: {  	_ =	shalt  }
0x51: {  	_ =	shalt  }
0x52: {  	_ =	shalt  }
0x53: {  	_ =	shalt  }
0x54: {  	_ =	shalt  }
0x55: {  	_ =	shalt  }
0x56: {  	_ =	shalt  }
0x57: {  	_ =	shalt  }
0x58: {  	_ =	shalt  }
0x59: {  	_ =	shalt  }
0x5a: {  	_ =	shalt  }
0x5b: {  	_ =	shalt  }
0x5c: {  	_ =	shalt  }
0x5d: {  	_ =	shalt  }
0x5e: {  	_ =	shalt  }
0x5f: {  	_ =	shalt  }
0x60: {  	_ =	shalt  }
0x61: {  	_ =	shalt  }
0x62: {  	_ =	shalt  }
0x63: {  	_ =	shalt  }
0x64: {  	_ =	shalt  }
0x65: {  	_ =	shalt  }
0x66: {  	_ =	shalt  }
0x67: {  	_ =	shalt  }
0x68: {  	_ =	shalt  }
0x69: {  	_ =	shalt  }
0x6a: {  	_ =	shalt  }
0x6b: {  	_ =	shalt  }
0x6c: {  	_ =	shalt  }
0x6d: {  	_ =	shalt  }
0x6e: {  	_ =	shalt  }
0x6f: {  	_ =	shalt  }
0x70: {  	_ =	shalt  }
0x71: {  	_ =	shalt  }
0x72: {  	_ =	shalt  }
0x73: {  	_ =	shalt  }
0x74: {  	_ =	shalt  }
0x75: {  	_ =	shalt  }
0x76: {  	_ =	shalt  }
0x77: {  	_ =	shalt  }
0x78: {  	_ =	shalt  }
0x79: {  	_ =	shalt  }
0x7a: {  	_ =	shalt  }
0x7b: {  	_ =	shalt  }
0x7c: {  	_ =	shalt  }
0x7d: {  	_ =	shalt  }
0x7e: {  	_ =	shalt  }
0x7f: {  	_ =	shalt  }
0x80: {  	_ =	shalt  }
0x81: {  	_ =	shalt  }
0x82: {  	_ =	shalt  }
0x83: {  	_ =	shalt  }
0x84: {  	_ =	shalt  }
0x85: {  	_ =	shalt  }
0x86: {  	_ =	shalt  }
0x87: {  	_ =	shalt  }
.Lfunc_end0:
.L_simem_size_0:
called_computation_lowered:
.L_overlay_start_0:
0x88: {  	s2 =	sld [smem:$0x3FD9]  }
0x89: {  	s3 =	sld [smem:$0x3FFE];
	_ =	sdelay $0x1  }
0x8a: {  	s1 =	srdreg.scid  }
0x8b: {  	s0 =	sand.u32 $0x1, s1  }
0x8c: {  	s16 =	sshll.u32 s0, $0xA;
	s2 =	sadd.s32 s3, s2  }
0x8d: {  	s2 =	sadd.s32 s2, s16  }
0x8e: {  	[smem:$0x3FBD] =	sst s2  }
0x8f: {  	_ = 	snop  }
0x90: {  	(tm) =	ssettm $0x1  }
0x91: {  	s17 =	sld [smem:$0x3FFB];
	_ =	sdelay $0x3  }
0x92: {  	_ =	strace s17  }
0x93: {  	s2 =	sld [smem:$0x3FFC];
	_ =	sdelay $0x3  }
0x94: {  	_ =	strace s2  }
0x95: {  	s2 =	sld [smem:$0x3FFD];
	_ =	sdelay $0x3  }
0x96: {  	_ =	strace s2  }
0x97: {  	_ =	strace $0x8FFFFFFF  }
0x98: {  	s18 =	sld [smem:$0x3FDB];
	_ =	sdelay $0x1  }
0x99: {  	s19 =	simm.s32 $_scs_section_size  }
0x9a: {  	s4 =	simm.s32 $_size__tile_overlayer_lowered;
	s5 =	simm.s32 $_tile_overlayer_lowered  }
0x9b: {  	s22 =	simm.s32 $0x1BFF;
	s21 =	sshll.u32 s5, $0x1;
	s2 =	sadd.s32 s19, s18  }
0x9c: {  	s6 =	simm.s32 $0x0;
	s20 =	sshll.u32 s4, $0x1;
	s4 =	sadd.s32 s21, s2  }
0x9d: {  	[timem:s6], [sflag:s22] =	dma.local [hbm:s4], s20  }
0x9e: {  	_ =	swait.ge [sflag:s22], s20  }
0x9f: {  	s3 =	ssub.s32 $0x0, s20;
	[sflag:s22] =	ssyncset.done $0x0  }
0xa0: {  	[sflag:s22] =	ssyncadd.s32 s3;
	_ =	sdelay $0x1  }
0xa1: {  	s23 =	simm.s32 $0x1B8B  }
0xa2: {  	_ =	swait.ge [sflag:s23], $0x1  }
0xa3: {  	[sflag:s23] =	ssyncset.done $0x0  }
0xa4: {  	s25 =	simm.s32 $0x1B8E;
	s24 =	sld [smem:$0x3FFE];
	[sflag:s23] =	ssyncadd.s32 $0xFFFFFFFF  }
0xa5: {  	s26 =	simm.s32 $execute0_lowered;
	[smem:$0x3FD2] =	sst s25  }
0xa6: {  	s4 =	sshll.u32 s26, $0x1;
	_ =	strace $0x80000046;
	[dreg:$0x1] =	wrdreg $0xFFFFFFFF  }
0xa7: {  	s28 =	simm.s32 $_size_execute0_lowered;
	s2 =	sadd.s32 s2, s4;
	[dreg:$0x0] =	wrdreg $0x0  }
0xa8: {  	s4 =	sshll.u32 s28, $0x1;
	[dreg:$0x2] =	wrdreg s2  }
0xa9: {  	[dreg:$0x3] =	wrdreg s4  }
0xaa: {  	[dreg:$0x4] =	wrdreg $0xC0  }
0xab: {  	_ =	task [dreg:s6], $0x5FFFF  }
0xac: {  	[dreg:$0x1] =	wrdreg $0xFFFFFFFF  }
0xad: {  	[dreg:$0x0] =	wrdreg $0x60  }
0xae: {  	[dreg:$0x2] =	wrdreg s24  }
0xaf: {  	[dreg:$0x3] =	wrdreg $0x9  }
0xb0: {  	_ =	task.clear_ibuf [dreg:s6], $0x4FFFF;
	_ =	strace $0x90000046  }
0xb1: {  	s29 =	simm.s32 $0x9;
	_ =	strace $0x80000048  }
0xb2: {  	_ =	swait.ge [sflag:s29], $0x1  }
0xb3: {  	[sflag:s29] =	ssyncadd.s32 $0xFFFFFFFF  }
0xb4: {  	_ =	strace $0x90000048  }
0xb5: {  	_ =	sfence  }
0xb6: {  	s30 =	sld [smem:$0x0];
	_ =	sdelay $0x2  }
0xb7: {  	s31 =	sshll.u32 s1, $0xD;
	s1 =	sshrl.u32 s1, $0x2  }
0xb8: {  	s3 =	sand.u32 $0x4000, s31;
	s1 =	sadd.s32 s1, s30  }
0xb9: {  	s0 =	sor.u32 s3, s0;
	s1 =	sshll.u32 s1, $0x11  }
0xba: {  	s0 =	sor.u32 s1, s0  }
0xbb: {  	s0 =	sadd.s32 $0x8F2B, s0  }
0xbc: {  	[sflag:s0] =	ssyncadd.remote.s32 $0x1  }
0xbd: {  	_ =	sfence.sel $0xFFFF  }
0xbe: {  	[dreg:$0x0] =	wrdreg $0xFFFFFFFF;
	(pc) =	sbr.abs _section_cstart, $3  }
0xbf: {  	[dreg:$0x1] =	wrdreg $0xFFFFFFFF  }
0xc0: {  	_ =	task.clear_ibuf [dreg:s6], $0x2FFFF;
	_ =	strace $0x9FFFFFFF  }
0xc1: {  	(tm) =	ssettm $0x7FFFFFFF  }
tec
execute0_lowered:
.L_overlay_start_1:
0x0: {  	(tag) =	ssettag $0x1  }
0x1: {  	s1 =	srdreg.scid;
	s0 =	stileid.u32  }
0x2: {  	s5 =	rddreg [dreg:$0x0];
	s2 =	simm.s32 $0x0;
	s12 =	simm.s32 $0x50  }
0x3: {  	s13 =	simm.s32 $0xC00;
	s14 =	simm.s32 $0x80;
	s15 =	simm.s32 $0x3400  }
0x4: {  	s16 =	simm.s32 $0x1;
	s17 =	simm.s32 $0x2;
	s18 =	simm.s32 $0x0  }
0x5: {  	s4 =	sand.u32 $0x1, s1;
	s30 =	sshll.u32 s0, $0x1;
	s1 =	rddreg [dreg:$0x1]  }
0x6: {  	[smem:$0x7FF] =	sst s2;
	s9 =	smul.u32 $0x64000, s0;
	s3 =	sor.u32 s4, s30  }
0x7: {  	_ =	strace $0x80000047;
	s8 =	ssub.s32 $0x2, s4;
	s11 =	smul.u32 $0x32000, s4  }
0x8: {  	s4 =	sadd.s32 $0x18A800, s5;
	s6 =	smul.u32 $0x180, s3;
	s10 =	sshrl.u32 s8, $0x1  }
0x9: {  	s7 =	smul.u32 $0x32000, s3;
	s3 =	sadd.s32 $0x3E00, s5;
	s8 =	ssub.s32 s8, s10  }
0xa: {  	s9 =	sadd.s32 s11, s9;
	s11 =	simm.s32 $0x3;
	s6 =	sadd.s32 s6, s5  }
0xb: {  	s7 =	sshrl.u32 s7, $0x3;
	s31 =	sadd.s32 $0x7800, s9;
	s9 =	sadd.s32 $0x5000, s9  }
0xc: {  	s5 =	sadd.s32 $0xE00, s6;
	s7 =	sadd.s32 s4, s7;
	s10 =	sshrl.u32 s31, $0x3  }
0xd: {  	s6 =	smax.u32 s8, $0x1;
	s8 =	sadd.s32 $0x500, s7;
	s10 =	sadd.s32 s10, s4  }
.LBB2_1:
0xe: {  	[tilespmem:s2], [sflag:$0x3] =	stream.linear.gather [hbm4b:s5+s2], $0xA00, $0x38;
	[tilespmem:$0x5C00] =	vst v63  }
0xf: {  	_ =	swait.ge [sflag:s11], $0xA00  }
0x10: {  	[sflag:s11] =	ssyncset.done $0x0  }
0x11: {  	[sflag:s11] =	ssyncadd.s32 $0xFFFFF600  }
0x12: {  	[tilespmem:s13], [sflag:$0x1] =	stream.indirect.gather [hbm4b:s3+s12], $0x80, s2, s12, $0xb8;
	[tilespmem:$0x5C00] =	vst v63  }
0x13: {  	_ = 	snop  }
0x14: {  	[tilespmem:s15], [sflag:$0x1] =	stream.indirect.gather [hbm4b:s3+s12], $0x80, s14, s12, $0xb8;
	[tilespmem:$0x5C00] =	vst v63  }
0x15: {  	_ =	swait.ge [sflag:s16], $0x2800  }
0x16: {  	[sflag:s16] =	ssyncset.done $0x0  }
0x17: {  	[sflag:s16] =	ssyncadd.s32 $0xFFFFD800  }
0x18: {  	[hbm4b:s7+s2] =	stream.linear.scatter [tilespmem:s13], [sflag:$0x2], $0x2800, $0x38;
	[tilespmem:$0x5C00] =	vst v63  }
0x19: {  	_ =	swait.ge [sflag:s16], $0x2800  }
0x1a: {  	[sflag:s16] =	ssyncset.done $0x0  }
0x1b: {  	[sflag:s16] =	ssyncadd.s32 $0xFFFFD800  }
0x1c: {  	[hbm4b:s8+s2] =	stream.linear.scatter [tilespmem:s15], [sflag:$0x2], $0x2800, $0x38;
	[tilespmem:$0x5C00] =	vst v63  }
0x1d: {  	_ =	swait.ge [sflag:s17], $0x2800  }
0x1e: {  	[sflag:s17] =	ssyncset.done $0x0  }
0x1f: {  	[sflag:s17] =	ssyncadd.s32 $0xFFFFD800  }
0x20: {  	_ =	swait.ge [sflag:s17], $0x2800  }
0x21: {  	[sflag:s17] =	ssyncset.done $0x0  }
0x22: {  	s19 =	simm.s32 $0x100;
	[sflag:s17] =	ssyncadd.s32 $0xFFFFD800  }
0x23: {  	[tilespmem:s13], [sflag:$0x1] =	stream.indirect.gather [hbm4b:s3+s12], $0x80, s19, s12, $0xb8;
	[tilespmem:$0x5C00] =	vst v63  }
0x24: {  	s30 =	simm.s32 $0x180  }
0x25: {  	[tilespmem:s15], [sflag:$0x1] =	stream.indirect.gather [hbm4b:s3+s12], $0x80, s30, s12, $0xb8;
	[tilespmem:$0x5C00] =	vst v63  }
0x26: {  	_ =	swait.ge [sflag:s16], $0x2800  }
0x27: {  	s31 =	sshrl.u32 s9, $0x3;
	[sflag:s16] =	ssyncset.done $0x0  }
0x28: {  	s19 =	sadd.s32 s4, s31;
	[sflag:s16] =	ssyncadd.s32 $0xFFFFD800  }
0x29: {  	[hbm4b:s19+s2] =	stream.linear.scatter [tilespmem:s13], [sflag:$0x2], $0x2800, $0x38;
	[tilespmem:$0x5C00] =	vst v63  }
0x2a: {  	_ =	swait.ge [sflag:s16], $0x2800  }
0x2b: {  	s20 =	simm.s32 $0x200;
	s22 =	sadd.s32 $0x0, s10;
	[sflag:s16] =	ssyncset.done $0x0  }
0x2c: {  	s21 =	sadd.s32 $0x5000, s9;
	s19 =	simm.s32 $0xA00;
	[sflag:s16] =	ssyncadd.s32 $0xFFFFD800  }
.LBB2_2:
0x2d: {  	[hbm4b:s22+s2] =	stream.linear.scatter [tilespmem:s15], [sflag:$0x2], $0x2800, $0x38;
	[tilespmem:$0x5C00] =	vst v63  }
0x2e: {  	s22 =	smov.u32 s19  }
0x2f: {  	p0 =	sne.s32 s19, $0x5000;
	s19 =	sadd.s32 $0xA00, s19;
	_ =	swait.ge [sflag:s17], $0x2800  }
0x30: {  	[sflag:s17] =	ssyncset.done $0x0  }
0x31: {  	[sflag:s17] =	ssyncadd.s32 $0xFFFFD800  }
0x32: {  	_ =	swait.ge [sflag:s17], $0x2800  }
0x33: {  	[sflag:s17] =	ssyncset.done $0x0  }
0x34: {  	[sflag:s17] =	ssyncadd.s32 $0xFFFFD800  }
0x35: {  	[tilespmem:s13], [sflag:$0x1] =	stream.indirect.gather [hbm4b:s3+s12], $0x80, s20, s12, $0xb8;
	[tilespmem:$0x5C00] =	vst v63  }
0x36: {  	s23 =	sadd.s32 $0x80, s20  }
0x37: {  	[tilespmem:s15], [sflag:$0x1] =	stream.indirect.gather [hbm4b:s3+s12], $0x80, s23, s12, $0xb8;
	[tilespmem:$0x5C00] =	vst v63  }
0x38: {  	_ =	swait.ge [sflag:s16], $0x2800  }
0x39: {  	s23 =	sshrl.u32 s21, $0x3;
	[sflag:s16] =	ssyncset.done $0x0  }
.Ltmp0:
0x3a: {  	s23 =	sadd.s32 s4, s23;
	[sflag:s16] =	ssyncadd.s32 $0xFFFFD800;
	(pc) =	sbr.rel @p0 .LBB2_2-.Ltmp0, $4  }
0x3b: {  	[hbm4b:s23+s2] =	stream.linear.scatter [tilespmem:s13], [sflag:$0x2], $0x2800, $0x38;
	[tilespmem:$0x5C00] =	vst v63  }
0x3c: {  	_ =	swait.ge [sflag:s16], $0x2800  }
0x3d: {  	s20 =	sadd.s32 $0x100, s20;
	[sflag:s16] =	ssyncset.done $0x0  }
0x3e: {  	s22 =	sadd.s32 s22, s10;
	s21 =	sadd.s32 $0x5000, s21;
	[sflag:s16] =	ssyncadd.s32 $0xFFFFD800  }
0x3f: {  	[hbm4b:s22+s2] =	stream.linear.scatter [tilespmem:s15], [sflag:$0x2], $0x2800, $0x38;
	[tilespmem:$0x5C00] =	vst v63  }
0x40: {  	s18 =	sadd.s32 $0x1, s18  }
0x41: {  	_ =	swait.ge [sflag:s17], $0x2800;
	p0 =	sne.s32 s18, s6  }
.Ltmp1:
0x42: {  	[sflag:s17] =	ssyncset.done $0x0;
	(pc) =	sbr.rel @p0 .LBB2_1-.Ltmp1, $4  }
0x43: {  	[sflag:s17] =	ssyncadd.s32 $0xFFFFD800  }
0x44: {  	_ =	swait.ge [sflag:s17], $0x2800  }
0x45: {  	[sflag:s17] =	ssyncset.done $0x0  }
0x46: {  	[sflag:s17] =	ssyncadd.s32 $0xFFFFD800  }
0x47: {  	_ =	sfence.sel $0x180000  }
0x48: {  	[bflag:$0x0] =	sbarrier.arrive $0xFFFF  }
0x49: {  	p0 =	sne.s32 s0, $0x0;
	_ =	strace $0x90000047  }
0x4a: {  	s0 =	sadd.s32 @!p0 $0x100000, s1;
	[bflag:$0x2] =	sbarrier.arrive $0xFFFF  }
0x4b: {  	[sflag:s0] =	ssyncadd.tile.s32 @!p0 $0x1;
	_ =	shalt  }
.Lfunc_end2:
_tile_overlayer_lowered:
.L_overlay_start_2:
0x4c: {  	(tag) =	ssettag $0x2  }
0x4d: {  	s0 =	rddreg [dreg:$0x0];
	s2 =	stileid.u32  }
0x4e: {  	s1 =	rddreg [dreg:$0x1];
	p0 =	sne.s32 s2, $0x0  }
0x4f: {  	s3 =	rddreg [dreg:$0x2];
	[bflag:$0x3] =	sbarrier.arrive $0xFFFF;
	s2 =	simm.s32 @!p0 $0x1C03  }
0x50: {  	[timem:s3], [sflag:s2] =	dma.local @!p0 [hbm:s0], s1  }
0x51: {  	s0 =	simm.s32 @!p0 $0x3  }
0x52: {  	_ =	swait.ge @!p0 [sflag:s0], s1  }
0x53: {  	s1 =	ssub.s32 @!p0 $0x0, s1;
	[sflag:s0] =	ssyncset.done @!p0 $0x0  }
0x54: {  	[sflag:s0] =	ssyncadd.s32 @!p0 s1  }
0x55: {  	[bflag:$0x3] =	sbarrier.arrive $0xFFFF  }
0x56: {  	_ =	shalt  }

</sc_bundles>
